<compile_context>
chip_gen: v7x
topology: tpu7x:2x2x1
jax: 0.10.2.dev20260603
libtpu: 0.0.44.dev20260713+nightly
codegen_flags: <defaults>
</compile_context>

<pallas_src>
import functools

import jax
import jax.numpy as jnp
from jax import lax
from jax.experimental import pallas as pl
from jax.experimental.pallas import tpu as pltpu
from jax.experimental.pallas import tpu_sc as plsc

B = 16384
F = 26
V = 100000
D = 16
EO = F * D
F_DENSE = 13

_NW = 32
_RPW = EO // _NW
_OUT_CHUNK = 4096


def _sc_gather_t(tviewT, idxT):
    mesh = plsc.VectorSubcoreMesh(core_axis_name="core", subcore_axis_name="subcore")

    nchunk = B // _OUT_CHUNK

    @functools.partial(
        pl.kernel,
        out_type=jax.ShapeDtypeStruct((EO, B), jnp.float32),
        mesh=mesh,
        scratch_types=[
            pltpu.VMEM((V,), jnp.float32),
            pltpu.VMEM((128,), jnp.float32),
            pltpu.VMEM((B,), jnp.int32),
            pltpu.VMEM((_OUT_CHUNK,), jnp.float32),
            pltpu.VMEM((_OUT_CHUNK,), jnp.float32),
            pltpu.SemaphoreType.DMA,
            pltpu.SemaphoreType.DMA,
            pltpu.SemaphoreType.DMA,
            pltpu.SemaphoreType.DMA,
        ],
        compiler_params=pltpu.CompilerParams(needs_layout_passes=False),
    )
    def gather_kernel(t_hbm, ttail_hbm, i_hbm, o_hbm, row_v, tail_v, idx_v,
                      out0_v, out1_v, sem_row, sem_idx, sem_o0, sem_o1):
        cid = lax.axis_index("core")
        sid = lax.axis_index("subcore")
        wid = sid * 2 + cid
        outs = (out0_v, out1_v)
        osems = (sem_o0, sem_o1)

        @pl.loop(0, _RPW)
        def _(k):
            r = wid * _RPW + k
            f = r // D
            bounds = (0, 25600, 51200, 76800, 99968)
            rcs = [pltpu.async_copy(ttail_hbm.at[r], tail_v, sem_row)]
            for q in range(4):
                off, ln = bounds[q], bounds[q + 1] - bounds[q]
                rcs.append(pltpu.async_copy(
                    t_hbm.at[r, pl.ds(off, ln)],
                    row_v.at[pl.ds(off, ln)], sem_row))
            @pl.when(jnp.logical_or(k == 0, r % D == 0))
            def _():
                pltpu.async_copy(i_hbm.at[f], idx_v, sem_idx).wait()

            for rc in rcs:
                rc.wait()
            row_v[pl.ds(99968, 16)] = tail_v[pl.ds(96, 16)]
            row_v[pl.ds(99984, 16)] = tail_v[pl.ds(112, 16)]

            for c in range(nchunk):
                ob = outs[c % 2]
                osem = osems[c % 2]
                if c >= 2:
                    pltpu.make_async_copy(
                        ob, o_hbm.at[r, pl.ds((c - 2) * _OUT_CHUNK, _OUT_CHUNK)], osem
                    ).wait()
                else:
                    @pl.when(k > 0)
                    def _():
                        pltpu.make_async_copy(
                            ob, o_hbm.at[r, pl.ds(c * _OUT_CHUNK, _OUT_CHUNK)], osem
                        ).wait()

                @pl.loop(0, _OUT_CHUNK // 16, unroll=8)
                def _(j):
                    vidx = idx_v[pl.ds(c * _OUT_CHUNK + j * 16, 16)]
                    ob[pl.ds(j * 16, 16)] = plsc.load_gather(row_v, [vidx])

                pltpu.async_copy(
                    ob, o_hbm.at[r, pl.ds(c * _OUT_CHUNK, _OUT_CHUNK)], osem)

        last_r = wid * _RPW + _RPW - 1
        for c in (nchunk - 2, nchunk - 1):
            pltpu.make_async_copy(
                outs[c % 2],
                o_hbm.at[last_r, pl.ds(c * _OUT_CHUNK, _OUT_CHUNK)],
                osems[c % 2],
            ).wait()

    return gather_kernel(tviewT, tviewT[:, V - 128:], idxT)


def _mlp_body_t(g_ref, d_ref, wlin_ref, w1et_ref, w1dt_ref, b1_ref, w2t_ref,
                b2_ref, w3t_ref, b3_ref, w4_ref, bias_ref, o_ref):
    g32 = g_ref[...]
    gb = g32.astype(jnp.bfloat16)
    db = d_ref[...].astype(jnp.bfloat16)
    wide = jnp.sum(g32 * wlin_ref[...], axis=0, keepdims=True)
    h = jnp.dot(w1et_ref[...], gb, preferred_element_type=jnp.float32)
    h = h + jnp.dot(w1dt_ref[...], db, preferred_element_type=jnp.float32)
    h = jnp.maximum(h + b1_ref[...], 0.0)
    h = jnp.dot(w2t_ref[...], h.astype(jnp.bfloat16), preferred_element_type=jnp.float32)
    h = jnp.maximum(h + b2_ref[...], 0.0)
    h = jnp.dot(w3t_ref[...], h.astype(jnp.bfloat16), preferred_element_type=jnp.float32)
    h = jnp.maximum(h + b3_ref[...], 0.0)
    deep = jnp.sum(h * w4_ref[...], axis=0, keepdims=True)
    o_ref[...] = jax.nn.sigmoid(0.5 * (wide + deep + bias_ref[...]))


def _mlp_tc_t(embT, dT, wlin, w1et, w1dt, b1c, w2t, b2c, w3t, b3c, w4, bias):
    bt = 2048
    grid = (B // bt,)

    def _const(shape):
        nd = len(shape)
        return pl.BlockSpec(shape, lambda i, _nd=nd: (0,) * _nd)

    return pl.pallas_call(
        _mlp_body_t,
        grid=grid,
        in_specs=[
            pl.BlockSpec((EO, bt), lambda i: (0, i)),
            pl.BlockSpec((F_DENSE, bt), lambda i: (0, i)),
            _const((EO, 1)),
            _const((1024, EO)),
            _const((1024, F_DENSE)),
            _const((1024, 1)),
            _const((512, 1024)),
            _const((512, 1)),
            _const((256, 512)),
            _const((256, 1)),
            _const((256, 1)),
            _const((1, 1)),
        ],
        out_specs=pl.BlockSpec((1, bt), lambda i: (0, i)),
        out_shape=jax.ShapeDtypeStruct((1, B), jnp.float32),
        compiler_params=pltpu.CompilerParams(
            dimension_semantics=("arbitrary",),
        ),
    )(embT, dT, wlin, w1et, w1dt, b1c, w2t, b2c, w3t, b3c, w4, bias)


def kernel(dense_inputs, sparse_inputs, tables, W_lin, b_lin, W1, b1, W2, b2, W3, b3, W4, b4):
    tviewT = jnp.transpose(tables, (0, 2, 1)).reshape(EO, V)
    idxT = jnp.transpose(sparse_inputs)
    dT = jnp.transpose(dense_inputs)

    embT = _sc_gather_t(tviewT, idxT)

    w1et = W1[:EO].T.astype(jnp.bfloat16)
    w1dt = W1[EO:].T.astype(jnp.bfloat16)
    w2t = W2.T.astype(jnp.bfloat16)
    w3t = W3.T.astype(jnp.bfloat16)
    bias = (b_lin + b4).reshape(1, 1)
    outT = _mlp_tc_t(
        embT, dT, W_lin, w1et, w1dt, b1.reshape(1024, 1),
        w2t, b2.reshape(512, 1), w3t, b3.reshape(256, 1),
        W4, bias,
    )
    return outT.reshape(B, 1)

# --- scband reference (transcript-rebuilt; emitter-appended) ---
"""Pipeline reference for scband-wide-deep-62783831933052 (READ-ONLY COPY).

The authoritative reference and input builder live on the scoring server;
editing this copy changes nothing except your own understanding.
"""

import jax, jax.numpy as jnp
import numpy as np

B = 16384
F_DENSE = 13
F_SPARSE = 26
VOCAB = 100000
EMBED_DIM = 16
HIDDEN = [1024, 512, 256]


def setup_inputs(seed: int = 0) -> dict:
    key = jax.random.key(seed)
    ks = jax.random.split(key, 16)
    dense_inputs = jax.random.normal(ks[0], (B, F_DENSE), dtype=jnp.float32)
    sparse_inputs = jax.random.randint(ks[1], (B, F_SPARSE), 0, VOCAB, dtype=jnp.int32)
    # stacked embedding tables, one per sparse field (random_uniform init like keras)
    tables = jax.random.uniform(ks[2], (F_SPARSE, VOCAB, EMBED_DIM), minval=-0.05, maxval=0.05, dtype=jnp.float32)
    embed_out = F_SPARSE * EMBED_DIM  # 416
    dnn_in = embed_out + F_DENSE      # 429
    def glorot(k, fan_in, fan_out):
        lim = np.sqrt(6.0 / (fan_in + fan_out))
        return jax.random.uniform(k, (fan_in, fan_out), minval=-lim, maxval=lim, dtype=jnp.float32)
    W_lin = glorot(ks[3], embed_out, 1)
    b_lin = jnp.zeros((1,), dtype=jnp.float32)
    W1 = glorot(ks[4], dnn_in, HIDDEN[0]); b1 = jnp.zeros((HIDDEN[0],), dtype=jnp.float32)
    W2 = glorot(ks[5], HIDDEN[0], HIDDEN[1]); b2 = jnp.zeros((HIDDEN[1],), dtype=jnp.float32)
    W3 = glorot(ks[6], HIDDEN[1], HIDDEN[2]); b3 = jnp.zeros((HIDDEN[2],), dtype=jnp.float32)
    W4 = glorot(ks[7], HIDDEN[2], 1); b4 = jnp.zeros((1,), dtype=jnp.float32)
    return {
        'dense_inputs': dense_inputs,
        'sparse_inputs': sparse_inputs,
        'tables': tables,
        'W_lin': W_lin, 'b_lin': b_lin,
        'W1': W1, 'b1': b1,
        'W2': W2, 'b2': b2,
        'W3': W3, 'b3': b3,
        'W4': W4, 'b4': b4,
    }


def reference(dense_inputs, sparse_inputs, tables, W_lin, b_lin, W1, b1, W2, b2, W3, b3, W4, b4):
    # per-field embedding lookup: tables[i][sparse_inputs[:, i]] for each field i
    field_idx = jnp.arange(F_SPARSE)[None, :]          # [1, F]
    gathered = tables[field_idx, sparse_inputs]         # [B, F, D] gather
    sparse_embed = gathered.reshape(sparse_inputs.shape[0], F_SPARSE * EMBED_DIM)
    x = jnp.concatenate([sparse_embed, dense_inputs], axis=-1)
    # wide part
    wide_out = sparse_embed @ W_lin + b_lin
    # deep part (DNN with relu)
    h = jax.nn.relu(x @ W1 + b1)
    h = jax.nn.relu(h @ W2 + b2)
    h = jax.nn.relu(h @ W3 + b3)
    deep_out = h @ W4 + b4
    outputs = jax.nn.sigmoid(0.5 * (wide_out + deep_out))
    return outputs


if False:  # reference __main__ guard neutralized (emitter)
    inp = setup_inputs()
    out = reference(**inp)
    print(out.shape, out.dtype)

if __name__ == "__main__":
    import jax
    _d = setup_inputs()
    print(jax.jit(kernel)(*tuple(_d.values())))

</pallas_src>

<mosaic_0001>
#map = affine_map<(d0, d1) -> (0, 0)>
module attributes {stable_mosaic.version = 14 : i64} {
  func.func @gather_kernel(%arg0: i32, %arg1: i32, %arg2: memref<416x100000xf32, #tpu.memory_space<hbm>>, %arg3: memref<416x128xf32, #tpu.memory_space<hbm>>, %arg4: memref<26x16384xi32, #tpu.memory_space<hbm>>, %arg5: memref<416x16384xf32, #tpu.memory_space<hbm>>, %arg6: memref<100000xf32, #tpu.memory_space<vmem>>, %arg7: memref<128xf32, #tpu.memory_space<vmem>>, %arg8: memref<16384xi32, #tpu.memory_space<vmem>>, %arg9: memref<4096xf32, #tpu.memory_space<vmem>>, %arg10: memref<4096xf32, #tpu.memory_space<vmem>>, %arg11: memref<!tpu.dma_semaphore, #tpu.memory_space<semaphore_mem>>, %arg12: memref<!tpu.dma_semaphore, #tpu.memory_space<semaphore_mem>>, %arg13: memref<!tpu.dma_semaphore, #tpu.memory_space<semaphore_mem>>, %arg14: memref<!tpu.dma_semaphore, #tpu.memory_space<semaphore_mem>>) attributes {dimension_semantics = [#tpu.dimension_semantics<core_parallel>, #tpu.dimension_semantics<subcore_parallel>], iteration_bounds = array<i64: 2, 16>, scalar_prefetch = 0 : i64, scratch_operands = 9 : i64, tpu.core_type = #tpu.core_type<sc_vector_subcore>, window_params = [{transform_indices = #map}, {transform_indices = #map}, {transform_indices = #map}, {transform_indices = #map}]} {
    %mul3A = arith.constant 2 : i32
    %mul3A_0 = arith.muli %arg1, %mul3A : i32
    %add3A = arith.addi %mul3A_0, %arg0 : i32
    %scan3A = arith.constant 0 : i32
    %scan3A_1 = arith.constant 13 : i32
    %scan3A_2 = arith.addi %scan3A, %scan3A_1 : i32
    %scan3A_3 = arith.constant 1 : i32
    scf.for %scan3A_21 = %scan3A to %scan3A_2 step %scan3A_3  : i32 {
      %mul3A_22 = arith.constant 1 : i32
      %mul3A_23 = arith.muli %scan3A_21, %mul3A_22 : i32
      %add3A_24 = arith.constant 0 : i32
      %add3A_25 = arith.addi %add3A_24, %mul3A_23 : i32
      %mul3A_26 = arith.constant 13 : i32
      %mul3A_27 = arith.muli %add3A, %mul3A_26 : i32
      %add3A_28 = arith.addi %mul3A_27, %add3A_25 : i32
      %jit3A = arith.constant 16 : i32
      %div3A = arith.divsi %add3A_28, %jit3A : i32
      %sign3A = arith.constant 0 : i32
      %sign3A_29 = arith.cmpi sgt, %add3A_28, %sign3A : i32
      %sign3A_30 = arith.extui %sign3A_29 : i1 to i32
      %sign3A_31 = arith.constant 0 : i32
      %sign3A_32 = arith.cmpi slt, %add3A_28, %sign3A_31 : i32
      %sign3A_33 = arith.extui %sign3A_32 : i1 to i32
      %sign3A_34 = arith.subi %sign3A_30, %sign3A_33 : i32
      %sign3A_35 = arith.constant 0 : i32
      %sign3A_36 = arith.cmpi sgt, %jit3A, %sign3A_35 : i32
      %sign3A_37 = arith.extui %sign3A_36 : i1 to i32
      %sign3A_38 = arith.constant 0 : i32
      %sign3A_39 = arith.cmpi slt, %jit3A, %sign3A_38 : i32
      %sign3A_40 = arith.extui %sign3A_39 : i1 to i32
      %sign3A_41 = arith.subi %sign3A_37, %sign3A_40 : i32
      %ne3A = arith.cmpi ne, %sign3A_34, %sign3A_41 : i32
      %rem3A = arith.remsi %add3A_28, %jit3A : i32
      %ne3A_42 = arith.constant 0 : i32
      %ne3A_43 = arith.cmpi ne, %rem3A, %ne3A_42 : i32
      %and3A = arith.andi %ne3A, %ne3A_43 : i1
      %sub3A_44 = arith.constant 1 : i32
      %sub3A_45 = arith.subi %div3A, %sub3A_44 : i32
      %select_n3A = arith.select %and3A, %sub3A_45, %div3A : i32
      %dma_start3A = arith.constant 0 : i32
      %dma_start3A_46 = tpu.memref_slice %arg3[%add3A_28, %dma_start3A] : memref<416x128xf32, #tpu.memory_space<hbm>> -> memref<1x128xf32, #tpu.memory_space<hbm>>
      %dma_start3A_47 = tpu.memref_squeeze %dma_start3A_46 : memref<1x128xf32, #tpu.memory_space<hbm>> -> memref<128xf32, #tpu.memory_space<hbm>>
      %dma_start3A_48 = arith.constant 0 : i32
      %dma_start3A_49 = tpu.memref_slice %arg3[%add3A_28, %dma_start3A_48] : memref<416x128xf32, #tpu.memory_space<hbm>> -> memref<1x128xf32, #tpu.memory_space<hbm>>
      %dma_start3A_50 = tpu.memref_squeeze %dma_start3A_49 : memref<1x128xf32, #tpu.memory_space<hbm>> -> memref<128xf32, #tpu.memory_space<hbm>>
      tpu.enqueue_dma source(%dma_start3A_50 : memref<128xf32, #tpu.memory_space<hbm>>) target(%arg7 : memref<128xf32, #tpu.memory_space<vmem>>) target_semaphore(%arg11 : memref<!tpu.dma_semaphore, #tpu.memory_space<semaphore_mem>>)
      %dma_start3A_51 = arith.constant 0 : i32
      %dma_start3A_52 = tpu.memref_slice %arg6[%dma_start3A_51] : memref<100000xf32, #tpu.memory_space<vmem>> -> memref<25600xf32, #tpu.memory_space<vmem>>
      %dma_start3A_53 = arith.constant 0 : i32
      %dma_start3A_54 = tpu.memref_slice %arg2[%add3A_28, %dma_start3A_53] : memref<416x100000xf32, #tpu.memory_space<hbm>> -> memref<1x25600xf32, #tpu.memory_space<hbm>>
      %dma_start3A_55 = tpu.memref_squeeze %dma_start3A_54 : memref<1x25600xf32, #tpu.memory_space<hbm>> -> memref<25600xf32, #tpu.memory_space<hbm>>
      %dma_start3A_56 = arith.constant 0 : i32
      %dma_start3A_57 = tpu.memref_slice %arg6[%dma_start3A_56] : memref<100000xf32, #tpu.memory_space<vmem>> -> memref<25600xf32, #tpu.memory_space<vmem>>
      %dma_start3A_58 = arith.constant 0 : i32
      %dma_start3A_59 = tpu.memref_slice %arg2[%add3A_28, %dma_start3A_58] : memref<416x100000xf32, #tpu.memory_space<hbm>> -> memref<1x25600xf32, #tpu.memory_space<hbm>>
      %dma_start3A_60 = tpu.memref_squeeze %dma_start3A_59 : memref<1x25600xf32, #tpu.memory_space<hbm>> -> memref<25600xf32, #tpu.memory_space<hbm>>
      tpu.enqueue_dma source(%dma_start3A_60 : memref<25600xf32, #tpu.memory_space<hbm>>) target(%dma_start3A_57 : memref<25600xf32, #tpu.memory_space<vmem>>) target_semaphore(%arg11 : memref<!tpu.dma_semaphore, #tpu.memory_space<semaphore_mem>>)
      %dma_start3A_61 = arith.constant 25600 : i32
      %dma_start3A_62 = tpu.memref_slice %arg6[%dma_start3A_61] : memref<100000xf32, #tpu.memory_space<vmem>> -> memref<25600xf32, #tpu.memory_space<vmem>>
      %dma_start3A_63 = arith.constant 25600 : i32
      %dma_start3A_64 = tpu.memref_slice %arg2[%add3A_28, %dma_start3A_63] : memref<416x100000xf32, #tpu.memory_space<hbm>> -> memref<1x25600xf32, #tpu.memory_space<hbm>>
      %dma_start3A_65 = tpu.memref_squeeze %dma_start3A_64 : memref<1x25600xf32, #tpu.memory_space<hbm>> -> memref<25600xf32, #tpu.memory_space<hbm>>
      %dma_start3A_66 = arith.constant 25600 : i32
      %dma_start3A_67 = tpu.memref_slice %arg6[%dma_start3A_66] : memref<100000xf32, #tpu.memory_space<vmem>> -> memref<25600xf32, #tpu.memory_space<vmem>>
      %dma_start3A_68 = arith.constant 25600 : i32
      %dma_start3A_69 = tpu.memref_slice %arg2[%add3A_28, %dma_start3A_68] : memref<416x100000xf32, #tpu.memory_space<hbm>> -> memref<1x25600xf32, #tpu.memory_space<hbm>>
      %dma_start3A_70 = tpu.memref_squeeze %dma_start3A_69 : memref<1x25600xf32, #tpu.memory_space<hbm>> -> memref<25600xf32, #tpu.memory_space<hbm>>
      tpu.enqueue_dma source(%dma_start3A_70 : memref<25600xf32, #tpu.memory_space<hbm>>) target(%dma_start3A_67 : memref<25600xf32, #tpu.memory_space<vmem>>) target_semaphore(%arg11 : memref<!tpu.dma_semaphore, #tpu.memory_space<semaphore_mem>>)
      %dma_start3A_71 = arith.constant 51200 : i32
      %dma_start3A_72 = tpu.memref_slice %arg6[%dma_start3A_71] : memref<100000xf32, #tpu.memory_space<vmem>> -> memref<25600xf32, #tpu.memory_space<vmem>>
      %dma_start3A_73 = arith.constant 51200 : i32
      %dma_start3A_74 = tpu.memref_slice %arg2[%add3A_28, %dma_start3A_73] : memref<416x100000xf32, #tpu.memory_space<hbm>> -> memref<1x25600xf32, #tpu.memory_space<hbm>>
      %dma_start3A_75 = tpu.memref_squeeze %dma_start3A_74 : memref<1x25600xf32, #tpu.memory_space<hbm>> -> memref<25600xf32, #tpu.memory_space<hbm>>
      %dma_start3A_76 = arith.constant 51200 : i32
      %dma_start3A_77 = tpu.memref_slice %arg6[%dma_start3A_76] : memref<100000xf32, #tpu.memory_space<vmem>> -> memref<25600xf32, #tpu.memory_space<vmem>>
      %dma_start3A_78 = arith.constant 51200 : i32
      %dma_start3A_79 = tpu.memref_slice %arg2[%add3A_28, %dma_start3A_78] : memref<416x100000xf32, #tpu.memory_space<hbm>> -> memref<1x25600xf32, #tpu.memory_space<hbm>>
      %dma_start3A_80 = tpu.memref_squeeze %dma_start3A_79 : memref<1x25600xf32, #tpu.memory_space<hbm>> -> memref<25600xf32, #tpu.memory_space<hbm>>
      tpu.enqueue_dma source(%dma_start3A_80 : memref<25600xf32, #tpu.memory_space<hbm>>) target(%dma_start3A_77 : memref<25600xf32, #tpu.memory_space<vmem>>) target_semaphore(%arg11 : memref<!tpu.dma_semaphore, #tpu.memory_space<semaphore_mem>>)
      %dma_start3A_81 = arith.constant 76800 : i32
      %dma_start3A_82 = tpu.memref_slice %arg6[%dma_start3A_81] : memref<100000xf32, #tpu.memory_space<vmem>> -> memref<23168xf32, #tpu.memory_space<vmem>>
      %dma_start3A_83 = arith.constant 76800 : i32
      %dma_start3A_84 = tpu.memref_slice %arg2[%add3A_28, %dma_start3A_83] : memref<416x100000xf32, #tpu.memory_space<hbm>> -> memref<1x23168xf32, #tpu.memory_space<hbm>>
      %dma_start3A_85 = tpu.memref_squeeze %dma_start3A_84 : memref<1x23168xf32, #tpu.memory_space<hbm>> -> memref<23168xf32, #tpu.memory_space<hbm>>
      %dma_start3A_86 = arith.constant 76800 : i32
      %dma_start3A_87 = tpu.memref_slice %arg6[%dma_start3A_86] : memref<100000xf32, #tpu.memory_space<vmem>> -> memref<23168xf32, #tpu.memory_space<vmem>>
      %dma_start3A_88 = arith.constant 76800 : i32
      %dma_start3A_89 = tpu.memref_slice %arg2[%add3A_28, %dma_start3A_88] : memref<416x100000xf32, #tpu.memory_space<hbm>> -> memref<1x23168xf32, #tpu.memory_space<hbm>>
      %dma_start3A_90 = tpu.memref_squeeze %dma_start3A_89 : memref<1x23168xf32, #tpu.memory_space<hbm>> -> memref<23168xf32, #tpu.memory_space<hbm>>
      tpu.enqueue_dma source(%dma_start3A_90 : memref<23168xf32, #tpu.memory_space<hbm>>) target(%dma_start3A_87 : memref<23168xf32, #tpu.memory_space<vmem>>) target_semaphore(%arg11 : memref<!tpu.dma_semaphore, #tpu.memory_space<semaphore_mem>>)
      %eq3A = arith.constant 0 : i32
      %eq3A_91 = arith.cmpi eq, %add3A_25, %eq3A : i32
      %jit3A_92 = arith.constant 16 : i32
      %eq3A_93 = arith.constant 0 : i32
      %eq3A_94 = arith.cmpi eq, %jit3A_92, %eq3A_93 : i32
      %jit3A_95 = arith.constant 1 : i32
      %select_n3A_96 = arith.select %eq3A_94, %jit3A_95, %jit3A_92 : i32
      %rem3A_97 = arith.remsi %add3A_28, %select_n3A_96 : i32
      %ne3A_98 = arith.constant 0 : i32
      %ne3A_99 = arith.cmpi ne, %rem3A_97, %ne3A_98 : i32
      %lt3A = arith.constant 0 : i32
      %lt3A_100 = arith.cmpi slt, %rem3A_97, %lt3A : i32
      %lt3A_101 = arith.constant 0 : i32
      %lt3A_102 = arith.cmpi slt, %select_n3A_96, %lt3A_101 : i32
      %ne3A_103 = arith.xori %lt3A_100, %lt3A_102 : i1
      %and3A_104 = arith.andi %ne3A_103, %ne3A_99 : i1
      %add3A_105 = arith.addi %rem3A_97, %select_n3A_96 : i32
      %select_n3A_106 = arith.select %and3A_104, %add3A_105, %rem3A_97 : i32
      %eq3A_107 = arith.constant 0 : i32
      %eq3A_108 = arith.cmpi eq, %select_n3A_106, %eq3A_107 : i32
      %or3A = arith.ori %eq3A_91, %eq3A_108 : i1
      %convert_element_type3A = arith.extui %or3A : i1 to i32
      %cond3A = arith.constant 0 : i32
      %cond3A_109 = arith.cmpi ne, %convert_element_type3A, %cond3A : i32
      scf.if %cond3A_109 {
        %dma_start3A_227 = arith.constant 0 : i32
        %dma_start3A_228 = tpu.memref_slice %arg4[%select_n3A, %dma_start3A_227] : memref<26x16384xi32, #tpu.memory_space<hbm>> -> memref<1x16384xi32, #tpu.memory_space<hbm>>
        %dma_start3A_229 = tpu.memref_squeeze %dma_start3A_228 : memref<1x16384xi32, #tpu.memory_space<hbm>> -> memref<16384xi32, #tpu.memory_space<hbm>>
        %dma_start3A_230 = arith.constant 0 : i32
        %dma_start3A_231 = tpu.memref_slice %arg4[%select_n3A, %dma_start3A_230] : memref<26x16384xi32, #tpu.memory_space<hbm>> -> memref<1x16384xi32, #tpu.memory_space<hbm>>
        %dma_start3A_232 = tpu.memref_squeeze %dma_start3A_231 : memref<1x16384xi32, #tpu.memory_space<hbm>> -> memref<16384xi32, #tpu.memory_space<hbm>>
        tpu.enqueue_dma source(%dma_start3A_232 : memref<16384xi32, #tpu.memory_space<hbm>>) target(%arg8 : memref<16384xi32, #tpu.memory_space<vmem>>) target_semaphore(%arg12 : memref<!tpu.dma_semaphore, #tpu.memory_space<semaphore_mem>>)
        %dma_wait3A_233 = arith.constant 0 : i32
        %dma_wait3A_234 = tpu.memref_slice %arg4[%select_n3A, %dma_wait3A_233] : memref<26x16384xi32, #tpu.memory_space<hbm>> -> memref<1x16384xi32, #tpu.memory_space<hbm>>
        %dma_wait3A_235 = tpu.memref_squeeze %dma_wait3A_234 : memref<1x16384xi32, #tpu.memory_space<hbm>> -> memref<16384xi32, #tpu.memory_space<hbm>>
        %dma_wait3A_236 = arith.constant 0 : i32
        %dma_wait3A_237 = tpu.memref_slice %arg4[%select_n3A, %dma_wait3A_236] : memref<26x16384xi32, #tpu.memory_space<hbm>> -> memref<1x16384xi32, #tpu.memory_space<hbm>>
        %dma_wait3A_238 = tpu.memref_squeeze %dma_wait3A_237 : memref<1x16384xi32, #tpu.memory_space<hbm>> -> memref<16384xi32, #tpu.memory_space<hbm>>
        tpu.wait_dma2 semaphore(%arg12 : memref<!tpu.dma_semaphore, #tpu.memory_space<semaphore_mem>>) src(%dma_wait3A_238 : memref<16384xi32, #tpu.memory_space<hbm>>) dst(%arg8 : memref<16384xi32, #tpu.memory_space<vmem>>)
      } else {
      }
      %dma_wait3A_110 = arith.constant 0 : i32
      %dma_wait3A_111 = tpu.memref_slice %arg3[%add3A_28, %dma_wait3A_110] : memref<416x128xf32, #tpu.memory_space<hbm>> -> memref<1x128xf32, #tpu.memory_space<hbm>>
      %dma_wait3A_112 = tpu.memref_squeeze %dma_wait3A_111 : memref<1x128xf32, #tpu.memory_space<hbm>> -> memref<128xf32, #tpu.memory_space<hbm>>
      %dma_wait3A_113 = arith.constant 0 : i32
      %dma_wait3A_114 = tpu.memref_slice %arg3[%add3A_28, %dma_wait3A_113] : memref<416x128xf32, #tpu.memory_space<hbm>> -> memref<1x128xf32, #tpu.memory_space<hbm>>
      %dma_wait3A_115 = tpu.memref_squeeze %dma_wait3A_114 : memref<1x128xf32, #tpu.memory_space<hbm>> -> memref<128xf32, #tpu.memory_space<hbm>>
      tpu.wait_dma2 semaphore(%arg11 : memref<!tpu.dma_semaphore, #tpu.memory_space<semaphore_mem>>) src(%dma_wait3A_115 : memref<128xf32, #tpu.memory_space<hbm>>) dst(%arg7 : memref<128xf32, #tpu.memory_space<vmem>>)
      %dma_wait3A_116 = arith.constant 0 : i32
      %dma_wait3A_117 = tpu.memref_slice %arg6[%dma_wait3A_116] : memref<100000xf32, #tpu.memory_space<vmem>> -> memref<25600xf32, #tpu.memory_space<vmem>>
      %dma_wait3A_118 = arith.constant 0 : i32
      %dma_wait3A_119 = tpu.memref_slice %arg2[%add3A_28, %dma_wait3A_118] : memref<416x100000xf32, #tpu.memory_space<hbm>> -> memref<1x25600xf32, #tpu.memory_space<hbm>>
      %dma_wait3A_120 = tpu.memref_squeeze %dma_wait3A_119 : memref<1x25600xf32, #tpu.memory_space<hbm>> -> memref<25600xf32, #tpu.memory_space<hbm>>
      %dma_wait3A_121 = arith.constant 0 : i32
      %dma_wait3A_122 = tpu.memref_slice %arg6[%dma_wait3A_121] : memref<100000xf32, #tpu.memory_space<vmem>> -> memref<25600xf32, #tpu.memory_space<vmem>>
      %dma_wait3A_123 = arith.constant 0 : i32
      %dma_wait3A_124 = tpu.memref_slice %arg2[%add3A_28, %dma_wait3A_123] : memref<416x100000xf32, #tpu.memory_space<hbm>> -> memref<1x25600xf32, #tpu.memory_space<hbm>>
      %dma_wait3A_125 = tpu.memref_squeeze %dma_wait3A_124 : memref<1x25600xf32, #tpu.memory_space<hbm>> -> memref<25600xf32, #tpu.memory_space<hbm>>
      tpu.wait_dma2 semaphore(%arg11 : memref<!tpu.dma_semaphore, #tpu.memory_space<semaphore_mem>>) src(%dma_wait3A_125 : memref<25600xf32, #tpu.memory_space<hbm>>) dst(%dma_wait3A_122 : memref<25600xf32, #tpu.memory_space<vmem>>)
      %dma_wait3A_126 = arith.constant 25600 : i32
      %dma_wait3A_127 = tpu.memref_slice %arg6[%dma_wait3A_126] : memref<100000xf32, #tpu.memory_space<vmem>> -> memref<25600xf32, #tpu.memory_space<vmem>>
      %dma_wait3A_128 = arith.constant 25600 : i32
      %dma_wait3A_129 = tpu.memref_slice %arg2[%add3A_28, %dma_wait3A_128] : memref<416x100000xf32, #tpu.memory_space<hbm>> -> memref<1x25600xf32, #tpu.memory_space<hbm>>
      %dma_wait3A_130 = tpu.memref_squeeze %dma_wait3A_129 : memref<1x25600xf32, #tpu.memory_space<hbm>> -> memref<25600xf32, #tpu.memory_space<hbm>>
      %dma_wait3A_131 = arith.constant 25600 : i32
      %dma_wait3A_132 = tpu.memref_slice %arg6[%dma_wait3A_131] : memref<100000xf32, #tpu.memory_space<vmem>> -> memref<25600xf32, #tpu.memory_space<vmem>>
      %dma_wait3A_133 = arith.constant 25600 : i32
      %dma_wait3A_134 = tpu.memref_slice %arg2[%add3A_28, %dma_wait3A_133] : memref<416x100000xf32, #tpu.memory_space<hbm>> -> memref<1x25600xf32, #tpu.memory_space<hbm>>
      %dma_wait3A_135 = tpu.memref_squeeze %dma_wait3A_134 : memref<1x25600xf32, #tpu.memory_space<hbm>> -> memref<25600xf32, #tpu.memory_space<hbm>>
      tpu.wait_dma2 semaphore(%arg11 : memref<!tpu.dma_semaphore, #tpu.memory_space<semaphore_mem>>) src(%dma_wait3A_135 : memref<25600xf32, #tpu.memory_space<hbm>>) dst(%dma_wait3A_132 : memref<25600xf32, #tpu.memory_space<vmem>>)
      %dma_wait3A_136 = arith.constant 51200 : i32
      %dma_wait3A_137 = tpu.memref_slice %arg6[%dma_wait3A_136] : memref<100000xf32, #tpu.memory_space<vmem>> -> memref<25600xf32, #tpu.memory_space<vmem>>
      %dma_wait3A_138 = arith.constant 51200 : i32
      %dma_wait3A_139 = tpu.memref_slice %arg2[%add3A_28, %dma_wait3A_138] : memref<416x100000xf32, #tpu.memory_space<hbm>> -> memref<1x25600xf32, #tpu.memory_space<hbm>>
      %dma_wait3A_140 = tpu.memref_squeeze %dma_wait3A_139 : memref<1x25600xf32, #tpu.memory_space<hbm>> -> memref<25600xf32, #tpu.memory_space<hbm>>
      %dma_wait3A_141 = arith.constant 51200 : i32
      %dma_wait3A_142 = tpu.memref_slice %arg6[%dma_wait3A_141] : memref<100000xf32, #tpu.memory_space<vmem>> -> memref<25600xf32, #tpu.memory_space<vmem>>
      %dma_wait3A_143 = arith.constant 51200 : i32
      %dma_wait3A_144 = tpu.memref_slice %arg2[%add3A_28, %dma_wait3A_143] : memref<416x100000xf32, #tpu.memory_space<hbm>> -> memref<1x25600xf32, #tpu.memory_space<hbm>>
      %dma_wait3A_145 = tpu.memref_squeeze %dma_wait3A_144 : memref<1x25600xf32, #tpu.memory_space<hbm>> -> memref<25600xf32, #tpu.memory_space<hbm>>
      tpu.wait_dma2 semaphore(%arg11 : memref<!tpu.dma_semaphore, #tpu.memory_space<semaphore_mem>>) src(%dma_wait3A_145 : memref<25600xf32, #tpu.memory_space<hbm>>) dst(%dma_wait3A_142 : memref<25600xf32, #tpu.memory_space<vmem>>)
      %dma_wait3A_146 = arith.constant 76800 : i32
      %dma_wait3A_147 = tpu.memref_slice %arg6[%dma_wait3A_146] : memref<100000xf32, #tpu.memory_space<vmem>> -> memref<23168xf32, #tpu.memory_space<vmem>>
      %dma_wait3A_148 = arith.constant 76800 : i32
      %dma_wait3A_149 = tpu.memref_slice %arg2[%add3A_28, %dma_wait3A_148] : memref<416x100000xf32, #tpu.memory_space<hbm>> -> memref<1x23168xf32, #tpu.memory_space<hbm>>
      %dma_wait3A_150 = tpu.memref_squeeze %dma_wait3A_149 : memref<1x23168xf32, #tpu.memory_space<hbm>> -> memref<23168xf32, #tpu.memory_space<hbm>>
      %dma_wait3A_151 = arith.constant 76800 : i32
      %dma_wait3A_152 = tpu.memref_slice %arg6[%dma_wait3A_151] : memref<100000xf32, #tpu.memory_space<vmem>> -> memref<23168xf32, #tpu.memory_space<vmem>>
      %dma_wait3A_153 = arith.constant 76800 : i32
      %dma_wait3A_154 = tpu.memref_slice %arg2[%add3A_28, %dma_wait3A_153] : memref<416x100000xf32, #tpu.memory_space<hbm>> -> memref<1x23168xf32, #tpu.memory_space<hbm>>
      %dma_wait3A_155 = tpu.memref_squeeze %dma_wait3A_154 : memref<1x23168xf32, #tpu.memory_space<hbm>> -> memref<23168xf32, #tpu.memory_space<hbm>>
      tpu.wait_dma2 semaphore(%arg11 : memref<!tpu.dma_semaphore, #tpu.memory_space<semaphore_mem>>) src(%dma_wait3A_155 : memref<23168xf32, #tpu.memory_space<hbm>>) dst(%dma_wait3A_152 : memref<23168xf32, #tpu.memory_space<vmem>>)
      %get3A = arith.constant 96 : index
      %get3A_156 = tpu.vector_load %arg7[%get3A] {strides = array<i32>} : memref<128xf32, #tpu.memory_space<vmem>>, vector<16xf32>,
      %swap3A = arith.constant 99968 : index
      %swap3A_157 = tpu.vector_load %arg6[%swap3A] {strides = array<i32>} : memref<100000xf32, #tpu.memory_space<vmem>>, vector<16xf32>,
      tpu.vector_store %arg6[%swap3A], %get3A_156 {strides = array<i32>} : memref<100000xf32, #tpu.memory_space<vmem>>, vector<16xf32>,
      %get3A_158 = arith.constant 112 : index
      %get3A_159 = tpu.vector_load %arg7[%get3A_158] {strides = array<i32>} : memref<128xf32, #tpu.memory_space<vmem>>, vector<16xf32>,
      %swap3A_160 = arith.constant 99984 : index
      %swap3A_161 = tpu.vector_load %arg6[%swap3A_160] {strides = array<i32>} : memref<100000xf32, #tpu.memory_space<vmem>>, vector<16xf32>,
      tpu.vector_store %arg6[%swap3A_160], %get3A_159 {strides = array<i32>} : memref<100000xf32, #tpu.memory_space<vmem>>, vector<16xf32>,
      %gt3A = arith.constant 0 : i32
      %gt3A_162 = arith.cmpi sgt, %add3A_25, %gt3A : i32
      %convert_element_type3A_163 = arith.extui %gt3A_162 : i1 to i32
      %cond3A_164 = arith.constant 0 : i32
      %cond3A_165 = arith.cmpi ne, %convert_element_type3A_163, %cond3A_164 : i32
      scf.if %cond3A_165 {
        %dma_wait3A_227 = arith.constant 0 : i32
        %dma_wait3A_228 = tpu.memref_slice %arg5[%add3A_28, %dma_wait3A_227] : memref<416x16384xf32, #tpu.memory_space<hbm>> -> memref<1x4096xf32, #tpu.memory_space<hbm>>
        %dma_wait3A_229 = tpu.memref_squeeze %dma_wait3A_228 : memref<1x4096xf32, #tpu.memory_space<hbm>> -> memref<4096xf32, #tpu.memory_space<hbm>>
        %dma_wait3A_230 = arith.constant 0 : i32
        %dma_wait3A_231 = tpu.memref_slice %arg5[%add3A_28, %dma_wait3A_230] : memref<416x16384xf32, #tpu.memory_space<hbm>> -> memref<1x4096xf32, #tpu.memory_space<hbm>>
        %dma_wait3A_232 = tpu.memref_squeeze %dma_wait3A_231 : memref<1x4096xf32, #tpu.memory_space<hbm>> -> memref<4096xf32, #tpu.memory_space<hbm>>
        tpu.wait_dma2 semaphore(%arg13 : memref<!tpu.dma_semaphore, #tpu.memory_space<semaphore_mem>>) src(%arg9 : memref<4096xf32, #tpu.memory_space<vmem>>) dst(%dma_wait3A_232 : memref<4096xf32, #tpu.memory_space<hbm>>)
      } else {
      }
      %scan3A_166 = arith.constant 0 : i32
      %scan3A_167 = arith.constant 256 : i32
      %scan3A_168 = arith.addi %scan3A_166, %scan3A_167 : i32
      %scan3A_169 = arith.constant 8 : i32
      scf.for %scan3A_227 = %scan3A_166 to %scan3A_168 step %scan3A_169  : i32 {
        %mul3A_228 = arith.constant 1 : i32
        %mul3A_229 = arith.muli %scan3A_227, %mul3A_228 : i32
        %add3A_230 = arith.constant 0 : i32
        %add3A_231 = arith.addi %add3A_230, %mul3A_229 : i32
        %mul3A_232 = arith.constant 16 : i32
        %mul3A_233 = arith.muli %add3A_231, %mul3A_232 : i32
        %add3A_234 = arith.constant 0 : i32
        %add3A_235 = arith.addi %add3A_234, %mul3A_233 : i32
        %get3A_236 = arith.index_cast %add3A_235 : i32 to index
        %get3A_237 = tpu.vector_load %arg8[%get3A_236] {strides = array<i32>} : memref<16384xi32, #tpu.memory_space<vmem>>, vector<16xi32>,
        %gather3A = tpu.vector_load_idx %arg6[%get3A_237] : memref<100000xf32, #tpu.memory_space<vmem>>[vector<16xi32>], vector<16xf32>,
        %mul3A_238 = arith.constant 16 : i32
        %mul3A_239 = arith.muli %add3A_231, %mul3A_238 : i32
        %swap3A_240 = arith.index_cast %mul3A_239 : i32 to index
        %swap3A_241 = tpu.vector_load %arg9[%swap3A_240] {strides = array<i32>} : memref<4096xf32, #tpu.memory_space<vmem>>, vector<16xf32>,
        tpu.vector_store %arg9[%swap3A_240], %gather3A {strides = array<i32>} : memref<4096xf32, #tpu.memory_space<vmem>>, vector<16xf32>,
        %scan3A_242 = arith.constant 1 : i32
        %scan3A_243 = arith.addi %scan3A_227, %scan3A_242 : i32
        %mul3A_244 = arith.constant 1 : i32
        %mul3A_245 = arith.muli %scan3A_243, %mul3A_244 : i32
        %add3A_246 = arith.constant 0 : i32
        %add3A_247 = arith.addi %add3A_246, %mul3A_245 : i32
        %mul3A_248 = arith.constant 16 : i32
        %mul3A_249 = arith.muli %add3A_247, %mul3A_248 : i32
        %add3A_250 = arith.constant 0 : i32
        %add3A_251 = arith.addi %add3A_250, %mul3A_249 : i32
        %get3A_252 = arith.index_cast %add3A_251 : i32 to index
        %get3A_253 = tpu.vector_load %arg8[%get3A_252] {strides = array<i32>} : memref<16384xi32, #tpu.memory_space<vmem>>, vector<16xi32>,
        %gather3A_254 = tpu.vector_load_idx %arg6[%get3A_253] : memref<100000xf32, #tpu.memory_space<vmem>>[vector<16xi32>], vector<16xf32>,
        %mul3A_255 = arith.constant 16 : i32
        %mul3A_256 = arith.muli %add3A_247, %mul3A_255 : i32
        %swap3A_257 = arith.index_cast %mul3A_256 : i32 to index
        %swap3A_258 = tpu.vector_load %arg9[%swap3A_257] {strides = array<i32>} : memref<4096xf32, #tpu.memory_space<vmem>>, vector<16xf32>,
        tpu.vector_store %arg9[%swap3A_257], %gather3A_254 {strides = array<i32>} : memref<4096xf32, #tpu.memory_space<vmem>>, vector<16xf32>,
        %scan3A_259 = arith.constant 2 : i32
        %scan3A_260 = arith.addi %scan3A_227, %scan3A_259 : i32
        %mul3A_261 = arith.constant 1 : i32
        %mul3A_262 = arith.muli %scan3A_260, %mul3A_261 : i32
        %add3A_263 = arith.constant 0 : i32
        %add3A_264 = arith.addi %add3A_263, %mul3A_262 : i32
        %mul3A_265 = arith.constant 16 : i32
        %mul3A_266 = arith.muli %add3A_264, %mul3A_265 : i32
        %add3A_267 = arith.constant 0 : i32
        %add3A_268 = arith.addi %add3A_267, %mul3A_266 : i32
        %get3A_269 = arith.index_cast %add3A_268 : i32 to index
        %get3A_270 = tpu.vector_load %arg8[%get3A_269] {strides = array<i32>} : memref<16384xi32, #tpu.memory_space<vmem>>, vector<16xi32>,
        %gather3A_271 = tpu.vector_load_idx %arg6[%get3A_270] : memref<100000xf32, #tpu.memory_space<vmem>>[vector<16xi32>], vector<16xf32>,
        %mul3A_272 = arith.constant 16 : i32
        %mul3A_273 = arith.muli %add3A_264, %mul3A_272 : i32
        %swap3A_274 = arith.index_cast %mul3A_273 : i32 to index
        %swap3A_275 = tpu.vector_load %arg9[%swap3A_274] {strides = array<i32>} : memref<4096xf32, #tpu.memory_space<vmem>>, vector<16xf32>,
        tpu.vector_store %arg9[%swap3A_274], %gather3A_271 {strides = array<i32>} : memref<4096xf32, #tpu.memory_space<vmem>>, vector<16xf32>,
        %scan3A_276 = arith.constant 3 : i32
        %scan3A_277 = arith.addi %scan3A_227, %scan3A_276 : i32
        %mul3A_278 = arith.constant 1 : i32
        %mul3A_279 = arith.muli %scan3A_277, %mul3A_278 : i32
        %add3A_280 = arith.constant 0 : i32
        %add3A_281 = arith.addi %add3A_280, %mul3A_279 : i32
        %mul3A_282 = arith.constant 16 : i32
        %mul3A_283 = arith.muli %add3A_281, %mul3A_282 : i32
        %add3A_284 = arith.constant 0 : i32
        %add3A_285 = arith.addi %add3A_284, %mul3A_283 : i32
        %get3A_286 = arith.index_cast %add3A_285 : i32 to index
        %get3A_287 = tpu.vector_load %arg8[%get3A_286] {strides = array<i32>} : memref<16384xi32, #tpu.memory_space<vmem>>, vector<16xi32>,
        %gather3A_288 = tpu.vector_load_idx %arg6[%get3A_287] : memref<100000xf32, #tpu.memory_space<vmem>>[vector<16xi32>], vector<16xf32>,
        %mul3A_289 = arith.constant 16 : i32
        %mul3A_290 = arith.muli %add3A_281, %mul3A_289 : i32
        %swap3A_291 = arith.index_cast %mul3A_290 : i32 to index
        %swap3A_292 = tpu.vector_load %arg9[%swap3A_291] {strides = array<i32>} : memref<4096xf32, #tpu.memory_space<vmem>>, vector<16xf32>,
        tpu.vector_store %arg9[%swap3A_291], %gather3A_288 {strides = array<i32>} : memref<4096xf32, #tpu.memory_space<vmem>>, vector<16xf32>,
        %scan3A_293 = arith.constant 4 : i32
        %scan3A_294 = arith.addi %scan3A_227, %scan3A_293 : i32
        %mul3A_295 = arith.constant 1 : i32
        %mul3A_296 = arith.muli %scan3A_294, %mul3A_295 : i32
        %add3A_297 = arith.constant 0 : i32
        %add3A_298 = arith.addi %add3A_297, %mul3A_296 : i32
        %mul3A_299 = arith.constant 16 : i32
        %mul3A_300 = arith.muli %add3A_298, %mul3A_299 : i32
        %add3A_301 = arith.constant 0 : i32
        %add3A_302 = arith.addi %add3A_301, %mul3A_300 : i32
        %get3A_303 = arith.index_cast %add3A_302 : i32 to index
        %get3A_304 = tpu.vector_load %arg8[%get3A_303] {strides = array<i32>} : memref<16384xi32, #tpu.memory_space<vmem>>, vector<16xi32>,
        %gather3A_305 = tpu.vector_load_idx %arg6[%get3A_304] : memref<100000xf32, #tpu.memory_space<vmem>>[vector<16xi32>], vector<16xf32>,
        %mul3A_306 = arith.constant 16 : i32
        %mul3A_307 = arith.muli %add3A_298, %mul3A_306 : i32
        %swap3A_308 = arith.index_cast %mul3A_307 : i32 to index
        %swap3A_309 = tpu.vector_load %arg9[%swap3A_308] {strides = array<i32>} : memref<4096xf32, #tpu.memory_space<vmem>>, vector<16xf32>,
        tpu.vector_store %arg9[%swap3A_308], %gather3A_305 {strides = array<i32>} : memref<4096xf32, #tpu.memory_space<vmem>>, vector<16xf32>,
        %scan3A_310 = arith.constant 5 : i32
        %scan3A_311 = arith.addi %scan3A_227, %scan3A_310 : i32
        %mul3A_312 = arith.constant 1 : i32
        %mul3A_313 = arith.muli %scan3A_311, %mul3A_312 : i32
        %add3A_314 = arith.constant 0 : i32
        %add3A_315 = arith.addi %add3A_314, %mul3A_313 : i32
        %mul3A_316 = arith.constant 16 : i32
        %mul3A_317 = arith.muli %add3A_315, %mul3A_316 : i32
        %add3A_318 = arith.constant 0 : i32
        %add3A_319 = arith.addi %add3A_318, %mul3A_317 : i32
        %get3A_320 = arith.index_cast %add3A_319 : i32 to index
        %get3A_321 = tpu.vector_load %arg8[%get3A_320] {strides = array<i32>} : memref<16384xi32, #tpu.memory_space<vmem>>, vector<16xi32>,
        %gather3A_322 = tpu.vector_load_idx %arg6[%get3A_321] : memref<100000xf32, #tpu.memory_space<vmem>>[vector<16xi32>], vector<16xf32>,
        %mul3A_323 = arith.constant 16 : i32
        %mul3A_324 = arith.muli %add3A_315, %mul3A_323 : i32
        %swap3A_325 = arith.index_cast %mul3A_324 : i32 to index
        %swap3A_326 = tpu.vector_load %arg9[%swap3A_325] {strides = array<i32>} : memref<4096xf32, #tpu.memory_space<vmem>>, vector<16xf32>,
        tpu.vector_store %arg9[%swap3A_325], %gather3A_322 {strides = array<i32>} : memref<4096xf32, #tpu.memory_space<vmem>>, vector<16xf32>,
        %scan3A_327 = arith.constant 6 : i32
        %scan3A_328 = arith.addi %scan3A_227, %scan3A_327 : i32
        %mul3A_329 = arith.constant 1 : i32
        %mul3A_330 = arith.muli %scan3A_328, %mul3A_329 : i32
        %add3A_331 = arith.constant 0 : i32
        %add3A_332 = arith.addi %add3A_331, %mul3A_330 : i32
        %mul3A_333 = arith.constant 16 : i32
        %mul3A_334 = arith.muli %add3A_332, %mul3A_333 : i32
        %add3A_335 = arith.constant 0 : i32
        %add3A_336 = arith.addi %add3A_335, %mul3A_334 : i32
        %get3A_337 = arith.index_cast %add3A_336 : i32 to index
        %get3A_338 = tpu.vector_load %arg8[%get3A_337] {strides = array<i32>} : memref<16384xi32, #tpu.memory_space<vmem>>, vector<16xi32>,
        %gather3A_339 = tpu.vector_load_idx %arg6[%get3A_338] : memref<100000xf32, #tpu.memory_space<vmem>>[vector<16xi32>], vector<16xf32>,
        %mul3A_340 = arith.constant 16 : i32
        %mul3A_341 = arith.muli %add3A_332, %mul3A_340 : i32
        %swap3A_342 = arith.index_cast %mul3A_341 : i32 to index
        %swap3A_343 = tpu.vector_load %arg9[%swap3A_342] {strides = array<i32>} : memref<4096xf32, #tpu.memory_space<vmem>>, vector<16xf32>,
        tpu.vector_store %arg9[%swap3A_342], %gather3A_339 {strides = array<i32>} : memref<4096xf32, #tpu.memory_space<vmem>>, vector<16xf32>,
        %scan3A_344 = arith.constant 7 : i32
        %scan3A_345 = arith.addi %scan3A_227, %scan3A_344 : i32
        %mul3A_346 = arith.constant 1 : i32
        %mul3A_347 = arith.muli %scan3A_345, %mul3A_346 : i32
        %add3A_348 = arith.constant 0 : i32
        %add3A_349 = arith.addi %add3A_348, %mul3A_347 : i32
        %mul3A_350 = arith.constant 16 : i32
        %mul3A_351 = arith.muli %add3A_349, %mul3A_350 : i32
        %add3A_352 = arith.constant 0 : i32
        %add3A_353 = arith.addi %add3A_352, %mul3A_351 : i32
        %get3A_354 = arith.index_cast %add3A_353 : i32 to index
        %get3A_355 = tpu.vector_load %arg8[%get3A_354] {strides = array<i32>} : memref<16384xi32, #tpu.memory_space<vmem>>, vector<16xi32>,
        %gather3A_356 = tpu.vector_load_idx %arg6[%get3A_355] : memref<100000xf32, #tpu.memory_space<vmem>>[vector<16xi32>], vector<16xf32>,
        %mul3A_357 = arith.constant 16 : i32
        %mul3A_358 = arith.muli %add3A_349, %mul3A_357 : i32
        %swap3A_359 = arith.index_cast %mul3A_358 : i32 to index
        %swap3A_360 = tpu.vector_load %arg9[%swap3A_359] {strides = array<i32>} : memref<4096xf32, #tpu.memory_space<vmem>>, vector<16xf32>,
        tpu.vector_store %arg9[%swap3A_359], %gather3A_356 {strides = array<i32>} : memref<4096xf32, #tpu.memory_space<vmem>>, vector<16xf32>,
      }
      %scan3A_170 = arith.constant 256 : i32
      %dma_start3A_171 = arith.constant 0 : i32
      %dma_start3A_172 = tpu.memref_slice %arg5[%add3A_28, %dma_start3A_171] : memref<416x16384xf32, #tpu.memory_space<hbm>> -> memref<1x4096xf32, #tpu.memory_space<hbm>>
      %dma_start3A_173 = tpu.memref_squeeze %dma_start3A_172 : memref<1x4096xf32, #tpu.memory_space<hbm>> -> memref<4096xf32, #tpu.memory_space<hbm>>
      %dma_start3A_174 = arith.constant 0 : i32
      %dma_start3A_175 = tpu.memref_slice %arg5[%add3A_28, %dma_start3A_174] : memref<416x16384xf32, #tpu.memory_space<hbm>> -> memref<1x4096xf32, #tpu.memory_space<hbm>>
      %dma_start3A_176 = tpu.memref_squeeze %dma_start3A_175 : memref<1x4096xf32, #tpu.memory_space<hbm>> -> memref<4096xf32, #tpu.memory_space<hbm>>
      tpu.enqueue_dma source(%arg9 : memref<4096xf32, #tpu.memory_space<vmem>>) target(%dma_start3A_176 : memref<4096xf32, #tpu.memory_space<hbm>>) target_semaphore(%arg13 : memref<!tpu.dma_semaphore, #tpu.memory_space<semaphore_mem>>)
      %gt3A_177 = arith.constant 0 : i32
      %gt3A_178 = arith.cmpi sgt, %add3A_25, %gt3A_177 : i32
      %convert_element_type3A_179 = arith.extui %gt3A_178 : i1 to i32
      %cond3A_180 = arith.constant 0 : i32
      %cond3A_181 = arith.cmpi ne, %convert_element_type3A_179, %cond3A_180 : i32
      scf.if %cond3A_181 {
        %dma_wait3A_227 = arith.constant 4096 : i32
        %dma_wait3A_228 = tpu.memref_slice %arg5[%add3A_28, %dma_wait3A_227] : memref<416x16384xf32, #tpu.memory_space<hbm>> -> memref<1x4096xf32, #tpu.memory_space<hbm>>
        %dma_wait3A_229 = tpu.memref_squeeze %dma_wait3A_228 : memref<1x4096xf32, #tpu.memory_space<hbm>> -> memref<4096xf32, #tpu.memory_space<hbm>>
        %dma_wait3A_230 = arith.constant 4096 : i32
        %dma_wait3A_231 = tpu.memref_slice %arg5[%add3A_28, %dma_wait3A_230] : memref<416x16384xf32, #tpu.memory_space<hbm>> -> memref<1x4096xf32, #tpu.memory_space<hbm>>
        %dma_wait3A_232 = tpu.memref_squeeze %dma_wait3A_231 : memref<1x4096xf32, #tpu.memory_space<hbm>> -> memref<4096xf32, #tpu.memory_space<hbm>>
        tpu.wait_dma2 semaphore(%arg14 : memref<!tpu.dma_semaphore, #tpu.memory_space<semaphore_mem>>) src(%arg10 : memref<4096xf32, #tpu.memory_space<vmem>>) dst(%dma_wait3A_232 : memref<4096xf32, #tpu.memory_space<hbm>>)
      } else {
      }
      %scan3A_182 = arith.constant 0 : i32
      %scan3A_183 = arith.constant 256 : i32
      %scan3A_184 = arith.addi %scan3A_182, %scan3A_183 : i32
      %scan3A_185 = arith.constant 8 : i32
      scf.for %scan3A_227 = %scan3A_182 to %scan3A_184 step %scan3A_185  : i32 {
        %mul3A_228 = arith.constant 1 : i32
        %mul3A_229 = arith.muli %scan3A_227, %mul3A_228 : i32
        %add3A_230 = arith.constant 0 : i32
        %add3A_231 = arith.addi %add3A_230, %mul3A_229 : i32
        %mul3A_232 = arith.constant 16 : i32
        %mul3A_233 = arith.muli %add3A_231, %mul3A_232 : i32
        %add3A_234 = arith.constant 4096 : i32
        %add3A_235 = arith.addi %add3A_234, %mul3A_233 : i32
        %get3A_236 = arith.index_cast %add3A_235 : i32 to index
        %get3A_237 = tpu.vector_load %arg8[%get3A_236] {strides = array<i32>} : memref<16384xi32, #tpu.memory_space<vmem>>, vector<16xi32>,
        %gather3A = tpu.vector_load_idx %arg6[%get3A_237] : memref<100000xf32, #tpu.memory_space<vmem>>[vector<16xi32>], vector<16xf32>,
        %mul3A_238 = arith.constant 16 : i32
        %mul3A_239 = arith.muli %add3A_231, %mul3A_238 : i32
        %swap3A_240 = arith.index_cast %mul3A_239 : i32 to index
        %swap3A_241 = tpu.vector_load %arg10[%swap3A_240] {strides = array<i32>} : memref<4096xf32, #tpu.memory_space<vmem>>, vector<16xf32>,
        tpu.vector_store %arg10[%swap3A_240], %gather3A {strides = array<i32>} : memref<4096xf32, #tpu.memory_space<vmem>>, vector<16xf32>,
        %scan3A_242 = arith.constant 1 : i32
        %scan3A_243 = arith.addi %scan3A_227, %scan3A_242 : i32
        %mul3A_244 = arith.constant 1 : i32
        %mul3A_245 = arith.muli %scan3A_243, %mul3A_244 : i32
        %add3A_246 = arith.constant 0 : i32
        %add3A_247 = arith.addi %add3A_246, %mul3A_245 : i32
        %mul3A_248 = arith.constant 16 : i32
        %mul3A_249 = arith.muli %add3A_247, %mul3A_248 : i32
        %add3A_250 = arith.constant 4096 : i32
        %add3A_251 = arith.addi %add3A_250, %mul3A_249 : i32
        %get3A_252 = arith.index_cast %add3A_251 : i32 to index
        %get3A_253 = tpu.vector_load %arg8[%get3A_252] {strides = array<i32>} : memref<16384xi32, #tpu.memory_space<vmem>>, vector<16xi32>,
        %gather3A_254 = tpu.vector_load_idx %arg6[%get3A_253] : memref<100000xf32, #tpu.memory_space<vmem>>[vector<16xi32>], vector<16xf32>,
        %mul3A_255 = arith.constant 16 : i32
        %mul3A_256 = arith.muli %add3A_247, %mul3A_255 : i32
        %swap3A_257 = arith.index_cast %mul3A_256 : i32 to index
        %swap3A_258 = tpu.vector_load %arg10[%swap3A_257] {strides = array<i32>} : memref<4096xf32, #tpu.memory_space<vmem>>, vector<16xf32>,
        tpu.vector_store %arg10[%swap3A_257], %gather3A_254 {strides = array<i32>} : memref<4096xf32, #tpu.memory_space<vmem>>, vector<16xf32>,
        %scan3A_259 = arith.constant 2 : i32
        %scan3A_260 = arith.addi %scan3A_227, %scan3A_259 : i32
        %mul3A_261 = arith.constant 1 : i32
        %mul3A_262 = arith.muli %scan3A_260, %mul3A_261 : i32
        %add3A_263 = arith.constant 0 : i32
        %add3A_264 = arith.addi %add3A_263, %mul3A_262 : i32
        %mul3A_265 = arith.constant 16 : i32
        %mul3A_266 = arith.muli %add3A_264, %mul3A_265 : i32
        %add3A_267 = arith.constant 4096 : i32
        %add3A_268 = arith.addi %add3A_267, %mul3A_266 : i32
        %get3A_269 = arith.index_cast %add3A_268 : i32 to index
        %get3A_270 = tpu.vector_load %arg8[%get3A_269] {strides = array<i32>} : memref<16384xi32, #tpu.memory_space<vmem>>, vector<16xi32>,
        %gather3A_271 = tpu.vector_load_idx %arg6[%get3A_270] : memref<100000xf32, #tpu.memory_space<vmem>>[vector<16xi32>], vector<16xf32>,
        %mul3A_272 = arith.constant 16 : i32
        %mul3A_273 = arith.muli %add3A_264, %mul3A_272 : i32
        %swap3A_274 = arith.index_cast %mul3A_273 : i32 to index
        %swap3A_275 = tpu.vector_load %arg10[%swap3A_274] {strides = array<i32>} : memref<4096xf32, #tpu.memory_space<vmem>>, vector<16xf32>,
        tpu.vector_store %arg10[%swap3A_274], %gather3A_271 {strides = array<i32>} : memref<4096xf32, #tpu.memory_space<vmem>>, vector<16xf32>,
        %scan3A_276 = arith.constant 3 : i32
        %scan3A_277 = arith.addi %scan3A_227, %scan3A_276 : i32
        %mul3A_278 = arith.constant 1 : i32
        %mul3A_279 = arith.muli %scan3A_277, %mul3A_278 : i32
        %add3A_280 = arith.constant 0 : i32
        %add3A_281 = arith.addi %add3A_280, %mul3A_279 : i32
        %mul3A_282 = arith.constant 16 : i32
        %mul3A_283 = arith.muli %add3A_281, %mul3A_282 : i32
        %add3A_284 = arith.constant 4096 : i32
        %add3A_285 = arith.addi %add3A_284, %mul3A_283 : i32
        %get3A_286 = arith.index_cast %add3A_285 : i32 to index
        %get3A_287 = tpu.vector_load %arg8[%get3A_286] {strides = array<i32>} : memref<16384xi32, #tpu.memory_space<vmem>>, vector<16xi32>,
        %gather3A_288 = tpu.vector_load_idx %arg6[%get3A_287] : memref<100000xf32, #tpu.memory_space<vmem>>[vector<16xi32>], vector<16xf32>,
        %mul3A_289 = arith.constant 16 : i32
        %mul3A_290 = arith.muli %add3A_281, %mul3A_289 : i32
        %swap3A_291 = arith.index_cast %mul3A_290 : i32 to index
        %swap3A_292 = tpu.vector_load %arg10[%swap3A_291] {strides = array<i32>} : memref<4096xf32, #tpu.memory_space<vmem>>, vector<16xf32>,
        tpu.vector_store %arg10[%swap3A_291], %gather3A_288 {strides = array<i32>} : memref<4096xf32, #tpu.memory_space<vmem>>, vector<16xf32>,
        %scan3A_293 = arith.constant 4 : i32
        %scan3A_294 = arith.addi %scan3A_227, %scan3A_293 : i32
        %mul3A_295 = arith.constant 1 : i32
        %mul3A_296 = arith.muli %scan3A_294, %mul3A_295 : i32
        %add3A_297 = arith.constant 0 : i32
        %add3A_298 = arith.addi %add3A_297, %mul3A_296 : i32
        %mul3A_299 = arith.constant 16 : i32
        %mul3A_300 = arith.muli %add3A_298, %mul3A_299 : i32
        %add3A_301 = arith.constant 4096 : i32
        %add3A_302 = arith.addi %add3A_301, %mul3A_300 : i32
        %get3A_303 = arith.index_cast %add3A_302 : i32 to index
        %get3A_304 = tpu.vector_load %arg8[%get3A_303] {strides = array<i32>} : memref<16384xi32, #tpu.memory_space<vmem>>, vector<16xi32>,
        %gather3A_305 = tpu.vector_load_idx %arg6[%get3A_304] : memref<100000xf32, #tpu.memory_space<vmem>>[vector<16xi32>], vector<16xf32>,
        %mul3A_306 = arith.constant 16 : i32
        %mul3A_307 = arith.muli %add3A_298, %mul3A_306 : i32
        %swap3A_308 = arith.index_cast %mul3A_307 : i32 to index
        %swap3A_309 = tpu.vector_load %arg10[%swap3A_308] {strides = array<i32>} : memref<4096xf32, #tpu.memory_space<vmem>>, vector<16xf32>,
        tpu.vector_store %arg10[%swap3A_308], %gather3A_305 {strides = array<i32>} : memref<4096xf32, #tpu.memory_space<vmem>>, vector<16xf32>,
        %scan3A_310 = arith.constant 5 : i32
        %scan3A_311 = arith.addi %scan3A_227, %scan3A_310 : i32
        %mul3A_312 = arith.constant 1 : i32
        %mul3A_313 = arith.muli %scan3A_311, %mul3A_312 : i32
        %add3A_314 = arith.constant 0 : i32
        %add3A_315 = arith.addi %add3A_314, %mul3A_313 : i32
        %mul3A_316 = arith.constant 16 : i32
        %mul3A_317 = arith.muli %add3A_315, %mul3A_316 : i32
        %add3A_318 = arith.constant 4096 : i32
        %add3A_319 = arith.addi %add3A_318, %mul3A_317 : i32
        %get3A_320 = arith.index_cast %add3A_319 : i32 to index
        %get3A_321 = tpu.vector_load %arg8[%get3A_320] {strides = array<i32>} : memref<16384xi32, #tpu.memory_space<vmem>>, vector<16xi32>,
        %gather3A_322 = tpu.vector_load_idx %arg6[%get3A_321] : memref<100000xf32, #tpu.memory_space<vmem>>[vector<16xi32>], vector<16xf32>,
        %mul3A_323 = arith.constant 16 : i32
        %mul3A_324 = arith.muli %add3A_315, %mul3A_323 : i32
        %swap3A_325 = arith.index_cast %mul3A_324 : i32 to index
        %swap3A_326 = tpu.vector_load %arg10[%swap3A_325] {strides = array<i32>} : memref<4096xf32, #tpu.memory_space<vmem>>, vector<16xf32>,
        tpu.vector_store %arg10[%swap3A_325], %gather3A_322 {strides = array<i32>} : memref<4096xf32, #tpu.memory_space<vmem>>, vector<16xf32>,
        %scan3A_327 = arith.constant 6 : i32
        %scan3A_328 = arith.addi %scan3A_227, %scan3A_327 : i32
        %mul3A_329 = arith.constant 1 : i32
        %mul3A_330 = arith.muli %scan3A_328, %mul3A_329 : i32
        %add3A_331 = arith.constant 0 : i32
        %add3A_332 = arith.addi %add3A_331, %mul3A_330 : i32
        %mul3A_333 = arith.constant 16 : i32
        %mul3A_334 = arith.muli %add3A_332, %mul3A_333 : i32
        %add3A_335 = arith.constant 4096 : i32
        %add3A_336 = arith.addi %add3A_335, %mul3A_334 : i32
        %get3A_337 = arith.index_cast %add3A_336 : i32 to index
        %get3A_338 = tpu.vector_load %arg8[%get3A_337] {strides = array<i32>} : memref<16384xi32, #tpu.memory_space<vmem>>, vector<16xi32>,
        %gather3A_339 = tpu.vector_load_idx %arg6[%get3A_338] : memref<100000xf32, #tpu.memory_space<vmem>>[vector<16xi32>], vector<16xf32>,
        %mul3A_340 = arith.constant 16 : i32
        %mul3A_341 = arith.muli %add3A_332, %mul3A_340 : i32
        %swap3A_342 = arith.index_cast %mul3A_341 : i32 to index
        %swap3A_343 = tpu.vector_load %arg10[%swap3A_342] {strides = array<i32>} : memref<4096xf32, #tpu.memory_space<vmem>>, vector<16xf32>,
        tpu.vector_store %arg10[%swap3A_342], %gather3A_339 {strides = array<i32>} : memref<4096xf32, #tpu.memory_space<vmem>>, vector<16xf32>,
        %scan3A_344 = arith.constant 7 : i32
        %scan3A_345 = arith.addi %scan3A_227, %scan3A_344 : i32
        %mul3A_346 = arith.constant 1 : i32
        %mul3A_347 = arith.muli %scan3A_345, %mul3A_346 : i32
        %add3A_348 = arith.constant 0 : i32
        %add3A_349 = arith.addi %add3A_348, %mul3A_347 : i32
        %mul3A_350 = arith.constant 16 : i32
        %mul3A_351 = arith.muli %add3A_349, %mul3A_350 : i32
        %add3A_352 = arith.constant 4096 : i32
        %add3A_353 = arith.addi %add3A_352, %mul3A_351 : i32
        %get3A_354 = arith.index_cast %add3A_353 : i32 to index
        %get3A_355 = tpu.vector_load %arg8[%get3A_354] {strides = array<i32>} : memref<16384xi32, #tpu.memory_space<vmem>>, vector<16xi32>,
        %gather3A_356 = tpu.vector_load_idx %arg6[%get3A_355] : memref<100000xf32, #tpu.memory_space<vmem>>[vector<16xi32>], vector<16xf32>,
        %mul3A_357 = arith.constant 16 : i32
        %mul3A_358 = arith.muli %add3A_349, %mul3A_357 : i32
        %swap3A_359 = arith.index_cast %mul3A_358 : i32 to index
        %swap3A_360 = tpu.vector_load %arg10[%swap3A_359] {strides = array<i32>} : memref<4096xf32, #tpu.memory_space<vmem>>, vector<16xf32>,
        tpu.vector_store %arg10[%swap3A_359], %gather3A_356 {strides = array<i32>} : memref<4096xf32, #tpu.memory_space<vmem>>, vector<16xf32>,
      }
      %scan3A_186 = arith.constant 256 : i32
      %dma_start3A_187 = arith.constant 4096 : i32
      %dma_start3A_188 = tpu.memref_slice %arg5[%add3A_28, %dma_start3A_187] : memref<416x16384xf32, #tpu.memory_space<hbm>> -> memref<1x4096xf32, #tpu.memory_space<hbm>>
      %dma_start3A_189 = tpu.memref_squeeze %dma_start3A_188 : memref<1x4096xf32, #tpu.memory_space<hbm>> -> memref<4096xf32, #tpu.memory_space<hbm>>
      %dma_start3A_190 = arith.constant 4096 : i32
      %dma_start3A_191 = tpu.memref_slice %arg5[%add3A_28, %dma_start3A_190] : memref<416x16384xf32, #tpu.memory_space<hbm>> -> memref<1x4096xf32, #tpu.memory_space<hbm>>
      %dma_start3A_192 = tpu.memref_squeeze %dma_start3A_191 : memref<1x4096xf32, #tpu.memory_space<hbm>> -> memref<4096xf32, #tpu.memory_space<hbm>>
      tpu.enqueue_dma source(%arg10 : memref<4096xf32, #tpu.memory_space<vmem>>) target(%dma_start3A_192 : memref<4096xf32, #tpu.memory_space<hbm>>) target_semaphore(%arg14 : memref<!tpu.dma_semaphore, #tpu.memory_space<semaphore_mem>>)
      %dma_wait3A_193 = arith.constant 0 : i32
      %dma_wait3A_194 = tpu.memref_slice %arg5[%add3A_28, %dma_wait3A_193] : memref<416x16384xf32, #tpu.memory_space<hbm>> -> memref<1x4096xf32, #tpu.memory_space<hbm>>
      %dma_wait3A_195 = tpu.memref_squeeze %dma_wait3A_194 : memref<1x4096xf32, #tpu.memory_space<hbm>> -> memref<4096xf32, #tpu.memory_space<hbm>>
      %dma_wait3A_196 = arith.constant 0 : i32
      %dma_wait3A_197 = tpu.memref_slice %arg5[%add3A_28, %dma_wait3A_196] : memref<416x16384xf32, #tpu.memory_space<hbm>> -> memref<1x4096xf32, #tpu.memory_space<hbm>>
      %dma_wait3A_198 = tpu.memref_squeeze %dma_wait3A_197 : memref<1x4096xf32, #tpu.memory_space<hbm>> -> memref<4096xf32, #tpu.memory_space<hbm>>
      tpu.wait_dma2 semaphore(%arg13 : memref<!tpu.dma_semaphore, #tpu.memory_space<semaphore_mem>>) src(%arg9 : memref<4096xf32, #tpu.memory_space<vmem>>) dst(%dma_wait3A_198 : memref<4096xf32, #tpu.memory_space<hbm>>)
      %scan3A_199 = arith.constant 0 : i32
      %scan3A_200 = arith.constant 256 : i32
      %scan3A_201 = arith.addi %scan3A_199, %scan3A_200 : i32
      %scan3A_202 = arith.constant 8 : i32
      scf.for %scan3A_227 = %scan3A_199 to %scan3A_201 step %scan3A_202  : i32 {
        %mul3A_228 = arith.constant 1 : i32
        %mul3A_229 = arith.muli %scan3A_227, %mul3A_228 : i32
        %add3A_230 = arith.constant 0 : i32
        %add3A_231 = arith.addi %add3A_230, %mul3A_229 : i32
        %mul3A_232 = arith.constant 16 : i32
        %mul3A_233 = arith.muli %add3A_231, %mul3A_232 : i32
        %add3A_234 = arith.constant 8192 : i32
        %add3A_235 = arith.addi %add3A_234, %mul3A_233 : i32
        %get3A_236 = arith.index_cast %add3A_235 : i32 to index
        %get3A_237 = tpu.vector_load %arg8[%get3A_236] {strides = array<i32>} : memref<16384xi32, #tpu.memory_space<vmem>>, vector<16xi32>,
        %gather3A = tpu.vector_load_idx %arg6[%get3A_237] : memref<100000xf32, #tpu.memory_space<vmem>>[vector<16xi32>], vector<16xf32>,
        %mul3A_238 = arith.constant 16 : i32
        %mul3A_239 = arith.muli %add3A_231, %mul3A_238 : i32
        %swap3A_240 = arith.index_cast %mul3A_239 : i32 to index
        %swap3A_241 = tpu.vector_load %arg9[%swap3A_240] {strides = array<i32>} : memref<4096xf32, #tpu.memory_space<vmem>>, vector<16xf32>,
        tpu.vector_store %arg9[%swap3A_240], %gather3A {strides = array<i32>} : memref<4096xf32, #tpu.memory_space<vmem>>, vector<16xf32>,
        %scan3A_242 = arith.constant 1 : i32
        %scan3A_243 = arith.addi %scan3A_227, %scan3A_242 : i32
        %mul3A_244 = arith.constant 1 : i32
        %mul3A_245 = arith.muli %scan3A_243, %mul3A_244 : i32
        %add3A_246 = arith.constant 0 : i32
        %add3A_247 = arith.addi %add3A_246, %mul3A_245 : i32
        %mul3A_248 = arith.constant 16 : i32
        %mul3A_249 = arith.muli %add3A_247, %mul3A_248 : i32
        %add3A_250 = arith.constant 8192 : i32
        %add3A_251 = arith.addi %add3A_250, %mul3A_249 : i32
        %get3A_252 = arith.index_cast %add3A_251 : i32 to index
        %get3A_253 = tpu.vector_load %arg8[%get3A_252] {strides = array<i32>} : memref<16384xi32, #tpu.memory_space<vmem>>, vector<16xi32>,
        %gather3A_254 = tpu.vector_load_idx %arg6[%get3A_253] : memref<100000xf32, #tpu.memory_space<vmem>>[vector<16xi32>], vector<16xf32>,
        %mul3A_255 = arith.constant 16 : i32
        %mul3A_256 = arith.muli %add3A_247, %mul3A_255 : i32
        %swap3A_257 = arith.index_cast %mul3A_256 : i32 to index
        %swap3A_258 = tpu.vector_load %arg9[%swap3A_257] {strides = array<i32>} : memref<4096xf32, #tpu.memory_space<vmem>>, vector<16xf32>,
        tpu.vector_store %arg9[%swap3A_257], %gather3A_254 {strides = array<i32>} : memref<4096xf32, #tpu.memory_space<vmem>>, vector<16xf32>,
        %scan3A_259 = arith.constant 2 : i32
        %scan3A_260 = arith.addi %scan3A_227, %scan3A_259 : i32
        %mul3A_261 = arith.constant 1 : i32
        %mul3A_262 = arith.muli %scan3A_260, %mul3A_261 : i32
        %add3A_263 = arith.constant 0 : i32
        %add3A_264 = arith.addi %add3A_263, %mul3A_262 : i32
        %mul3A_265 = arith.constant 16 : i32
        %mul3A_266 = arith.muli %add3A_264, %mul3A_265 : i32
        %add3A_267 = arith.constant 8192 : i32
        %add3A_268 = arith.addi %add3A_267, %mul3A_266 : i32
        %get3A_269 = arith.index_cast %add3A_268 : i32 to index
        %get3A_270 = tpu.vector_load %arg8[%get3A_269] {strides = array<i32>} : memref<16384xi32, #tpu.memory_space<vmem>>, vector<16xi32>,
        %gather3A_271 = tpu.vector_load_idx %arg6[%get3A_270] : memref<100000xf32, #tpu.memory_space<vmem>>[vector<16xi32>], vector<16xf32>,
        %mul3A_272 = arith.constant 16 : i32
        %mul3A_273 = arith.muli %add3A_264, %mul3A_272 : i32
        %swap3A_274 = arith.index_cast %mul3A_273 : i32 to index
        %swap3A_275 = tpu.vector_load %arg9[%swap3A_274] {strides = array<i32>} : memref<4096xf32, #tpu.memory_space<vmem>>, vector<16xf32>,
        tpu.vector_store %arg9[%swap3A_274], %gather3A_271 {strides = array<i32>} : memref<4096xf32, #tpu.memory_space<vmem>>, vector<16xf32>,
        %scan3A_276 = arith.constant 3 : i32
        %scan3A_277 = arith.addi %scan3A_227, %scan3A_276 : i32
        %mul3A_278 = arith.constant 1 : i32
        %mul3A_279 = arith.muli %scan3A_277, %mul3A_278 : i32
        %add3A_280 = arith.constant 0 : i32
        %add3A_281 = arith.addi %add3A_280, %mul3A_279 : i32
        %mul3A_282 = arith.constant 16 : i32
        %mul3A_283 = arith.muli %add3A_281, %mul3A_282 : i32
        %add3A_284 = arith.constant 8192 : i32
        %add3A_285 = arith.addi %add3A_284, %mul3A_283 : i32
        %get3A_286 = arith.index_cast %add3A_285 : i32 to index
        %get3A_287 = tpu.vector_load %arg8[%get3A_286] {strides = array<i32>} : memref<16384xi32, #tpu.memory_space<vmem>>, vector<16xi32>,
        %gather3A_288 = tpu.vector_load_idx %arg6[%get3A_287] : memref<100000xf32, #tpu.memory_space<vmem>>[vector<16xi32>], vector<16xf32>,
        %mul3A_289 = arith.constant 16 : i32
        %mul3A_290 = arith.muli %add3A_281, %mul3A_289 : i32
        %swap3A_291 = arith.index_cast %mul3A_290 : i32 to index
        %swap3A_292 = tpu.vector_load %arg9[%swap3A_291] {strides = array<i32>} : memref<4096xf32, #tpu.memory_space<vmem>>, vector<16xf32>,
        tpu.vector_store %arg9[%swap3A_291], %gather3A_288 {strides = array<i32>} : memref<4096xf32, #tpu.memory_space<vmem>>, vector<16xf32>,
        %scan3A_293 = arith.constant 4 : i32
        %scan3A_294 = arith.addi %scan3A_227, %scan3A_293 : i32
        %mul3A_295 = arith.constant 1 : i32
        %mul3A_296 = arith.muli %scan3A_294, %mul3A_295 : i32
        %add3A_297 = arith.constant 0 : i32
        %add3A_298 = arith.addi %add3A_297, %mul3A_296 : i32
        %mul3A_299 = arith.constant 16 : i32
        %mul3A_300 = arith.muli %add3A_298, %mul3A_299 : i32
        %add3A_301 = arith.constant 8192 : i32
        %add3A_302 = arith.addi %add3A_301, %mul3A_300 : i32
        %get3A_303 = arith.index_cast %add3A_302 : i32 to index
        %get3A_304 = tpu.vector_load %arg8[%get3A_303] {strides = array<i32>} : memref<16384xi32, #tpu.memory_space<vmem>>, vector<16xi32>,
        %gather3A_305 = tpu.vector_load_idx %arg6[%get3A_304] : memref<100000xf32, #tpu.memory_space<vmem>>[vector<16xi32>], vector<16xf32>,
        %mul3A_306 = arith.constant 16 : i32
        %mul3A_307 = arith.muli %add3A_298, %mul3A_306 : i32
        %swap3A_308 = arith.index_cast %mul3A_307 : i32 to index
        %swap3A_309 = tpu.vector_load %arg9[%swap3A_308] {strides = array<i32>} : memref<4096xf32, #tpu.memory_space<vmem>>, vector<16xf32>,
        tpu.vector_store %arg9[%swap3A_308], %gather3A_305 {strides = array<i32>} : memref<4096xf32, #tpu.memory_space<vmem>>, vector<16xf32>,
        %scan3A_310 = arith.constant 5 : i32
        %scan3A_311 = arith.addi %scan3A_227, %scan3A_310 : i32
        %mul3A_312 = arith.constant 1 : i32
        %mul3A_313 = arith.muli %scan3A_311, %mul3A_312 : i32
        %add3A_314 = arith.constant 0 : i32
        %add3A_315 = arith.addi %add3A_314, %mul3A_313 : i32
        %mul3A_316 = arith.constant 16 : i32
        %mul3A_317 = arith.muli %add3A_315, %mul3A_316 : i32
        %add3A_318 = arith.constant 8192 : i32
        %add3A_319 = arith.addi %add3A_318, %mul3A_317 : i32
        %get3A_320 = arith.index_cast %add3A_319 : i32 to index
        %get3A_321 = tpu.vector_load %arg8[%get3A_320] {strides = array<i32>} : memref<16384xi32, #tpu.memory_space<vmem>>, vector<16xi32>,
        %gather3A_322 = tpu.vector_load_idx %arg6[%get3A_321] : memref<100000xf32, #tpu.memory_space<vmem>>[vector<16xi32>], vector<16xf32>,
        %mul3A_323 = arith.constant 16 : i32
        %mul3A_324 = arith.muli %add3A_315, %mul3A_323 : i32
        %swap3A_325 = arith.index_cast %mul3A_324 : i32 to index
        %swap3A_326 = tpu.vector_load %arg9[%swap3A_325] {strides = array<i32>} : memref<4096xf32, #tpu.memory_space<vmem>>, vector<16xf32>,
        tpu.vector_store %arg9[%swap3A_325], %gather3A_322 {strides = array<i32>} : memref<4096xf32, #tpu.memory_space<vmem>>, vector<16xf32>,
        %scan3A_327 = arith.constant 6 : i32
        %scan3A_328 = arith.addi %scan3A_227, %scan3A_327 : i32
        %mul3A_329 = arith.constant 1 : i32
        %mul3A_330 = arith.muli %scan3A_328, %mul3A_329 : i32
        %add3A_331 = arith.constant 0 : i32
        %add3A_332 = arith.addi %add3A_331, %mul3A_330 : i32
        %mul3A_333 = arith.constant 16 : i32
        %mul3A_334 = arith.muli %add3A_332, %mul3A_333 : i32
        %add3A_335 = arith.constant 8192 : i32
        %add3A_336 = arith.addi %add3A_335, %mul3A_334 : i32
        %get3A_337 = arith.index_cast %add3A_336 : i32 to index
        %get3A_338 = tpu.vector_load %arg8[%get3A_337] {strides = array<i32>} : memref<16384xi32, #tpu.memory_space<vmem>>, vector<16xi32>,
        %gather3A_339 = tpu.vector_load_idx %arg6[%get3A_338] : memref<100000xf32, #tpu.memory_space<vmem>>[vector<16xi32>], vector<16xf32>,
        %mul3A_340 = arith.constant 16 : i32
        %mul3A_341 = arith.muli %add3A_332, %mul3A_340 : i32
        %swap3A_342 = arith.index_cast %mul3A_341 : i32 to index
        %swap3A_343 = tpu.vector_load %arg9[%swap3A_342] {strides = array<i32>} : memref<4096xf32, #tpu.memory_space<vmem>>, vector<16xf32>,
        tpu.vector_store %arg9[%swap3A_342], %gather3A_339 {strides = array<i32>} : memref<4096xf32, #tpu.memory_space<vmem>>, vector<16xf32>,
        %scan3A_344 = arith.constant 7 : i32
        %scan3A_345 = arith.addi %scan3A_227, %scan3A_344 : i32
        %mul3A_346 = arith.constant 1 : i32
        %mul3A_347 = arith.muli %scan3A_345, %mul3A_346 : i32
        %add3A_348 = arith.constant 0 : i32
        %add3A_349 = arith.addi %add3A_348, %mul3A_347 : i32
        %mul3A_350 = arith.constant 16 : i32
        %mul3A_351 = arith.muli %add3A_349, %mul3A_350 : i32
        %add3A_352 = arith.constant 8192 : i32
        %add3A_353 = arith.addi %add3A_352, %mul3A_351 : i32
        %get3A_354 = arith.index_cast %add3A_353 : i32 to index
        %get3A_355 = tpu.vector_load %arg8[%get3A_354] {strides = array<i32>} : memref<16384xi32, #tpu.memory_space<vmem>>, vector<16xi32>,
        %gather3A_356 = tpu.vector_load_idx %arg6[%get3A_355] : memref<100000xf32, #tpu.memory_space<vmem>>[vector<16xi32>], vector<16xf32>,
        %mul3A_357 = arith.constant 16 : i32
        %mul3A_358 = arith.muli %add3A_349, %mul3A_357 : i32
        %swap3A_359 = arith.index_cast %mul3A_358 : i32 to index
        %swap3A_360 = tpu.vector_load %arg9[%swap3A_359] {strides = array<i32>} : memref<4096xf32, #tpu.memory_space<vmem>>, vector<16xf32>,
        tpu.vector_store %arg9[%swap3A_359], %gather3A_356 {strides = array<i32>} : memref<4096xf32, #tpu.memory_space<vmem>>, vector<16xf32>,
      }
      %scan3A_203 = arith.constant 256 : i32
      %dma_start3A_204 = arith.constant 8192 : i32
      %dma_start3A_205 = tpu.memref_slice %arg5[%add3A_28, %dma_start3A_204] : memref<416x16384xf32, #tpu.memory_space<hbm>> -> memref<1x4096xf32, #tpu.memory_space<hbm>>
      %dma_start3A_206 = tpu.memref_squeeze %dma_start3A_205 : memref<1x4096xf32, #tpu.memory_space<hbm>> -> memref<4096xf32, #tpu.memory_space<hbm>>
      %dma_start3A_207 = arith.constant 8192 : i32
      %dma_start3A_208 = tpu.memref_slice %arg5[%add3A_28, %dma_start3A_207] : memref<416x16384xf32, #tpu.memory_space<hbm>> -> memref<1x4096xf32, #tpu.memory_space<hbm>>
      %dma_start3A_209 = tpu.memref_squeeze %dma_start3A_208 : memref<1x4096xf32, #tpu.memory_space<hbm>> -> memref<4096xf32, #tpu.memory_space<hbm>>
      tpu.enqueue_dma source(%arg9 : memref<4096xf32, #tpu.memory_space<vmem>>) target(%dma_start3A_209 : memref<4096xf32, #tpu.memory_space<hbm>>) target_semaphore(%arg13 : memref<!tpu.dma_semaphore, #tpu.memory_space<semaphore_mem>>)
      %dma_wait3A_210 = arith.constant 4096 : i32
      %dma_wait3A_211 = tpu.memref_slice %arg5[%add3A_28, %dma_wait3A_210] : memref<416x16384xf32, #tpu.memory_space<hbm>> -> memref<1x4096xf32, #tpu.memory_space<hbm>>
      %dma_wait3A_212 = tpu.memref_squeeze %dma_wait3A_211 : memref<1x4096xf32, #tpu.memory_space<hbm>> -> memref<4096xf32, #tpu.memory_space<hbm>>
      %dma_wait3A_213 = arith.constant 4096 : i32
      %dma_wait3A_214 = tpu.memref_slice %arg5[%add3A_28, %dma_wait3A_213] : memref<416x16384xf32, #tpu.memory_space<hbm>> -> memref<1x4096xf32, #tpu.memory_space<hbm>>
      %dma_wait3A_215 = tpu.memref_squeeze %dma_wait3A_214 : memref<1x4096xf32, #tpu.memory_space<hbm>> -> memref<4096xf32, #tpu.memory_space<hbm>>
      tpu.wait_dma2 semaphore(%arg14 : memref<!tpu.dma_semaphore, #tpu.memory_space<semaphore_mem>>) src(%arg10 : memref<4096xf32, #tpu.memory_space<vmem>>) dst(%dma_wait3A_215 : memref<4096xf32, #tpu.memory_space<hbm>>)
      %scan3A_216 = arith.constant 0 : i32
      %scan3A_217 = arith.constant 256 : i32
      %scan3A_218 = arith.addi %scan3A_216, %scan3A_217 : i32
      %scan3A_219 = arith.constant 8 : i32
      scf.for %scan3A_227 = %scan3A_216 to %scan3A_218 step %scan3A_219  : i32 {
        %mul3A_228 = arith.constant 1 : i32
        %mul3A_229 = arith.muli %scan3A_227, %mul3A_228 : i32
        %add3A_230 = arith.constant 0 : i32
        %add3A_231 = arith.addi %add3A_230, %mul3A_229 : i32
        %mul3A_232 = arith.constant 16 : i32
        %mul3A_233 = arith.muli %add3A_231, %mul3A_232 : i32
        %add3A_234 = arith.constant 12288 : i32
        %add3A_235 = arith.addi %add3A_234, %mul3A_233 : i32
        %get3A_236 = arith.index_cast %add3A_235 : i32 to index
        %get3A_237 = tpu.vector_load %arg8[%get3A_236] {strides = array<i32>} : memref<16384xi32, #tpu.memory_space<vmem>>, vector<16xi32>,
        %gather3A = tpu.vector_load_idx %arg6[%get3A_237] : memref<100000xf32, #tpu.memory_space<vmem>>[vector<16xi32>], vector<16xf32>,
        %mul3A_238 = arith.constant 16 : i32
        %mul3A_239 = arith.muli %add3A_231, %mul3A_238 : i32
        %swap3A_240 = arith.index_cast %mul3A_239 : i32 to index
        %swap3A_241 = tpu.vector_load %arg10[%swap3A_240] {strides = array<i32>} : memref<4096xf32, #tpu.memory_space<vmem>>, vector<16xf32>,
        tpu.vector_store %arg10[%swap3A_240], %gather3A {strides = array<i32>} : memref<4096xf32, #tpu.memory_space<vmem>>, vector<16xf32>,
        %scan3A_242 = arith.constant 1 : i32
        %scan3A_243 = arith.addi %scan3A_227, %scan3A_242 : i32
        %mul3A_244 = arith.constant 1 : i32
        %mul3A_245 = arith.muli %scan3A_243, %mul3A_244 : i32
        %add3A_246 = arith.constant 0 : i32
        %add3A_247 = arith.addi %add3A_246, %mul3A_245 : i32
        %mul3A_248 = arith.constant 16 : i32
        %mul3A_249 = arith.muli %add3A_247, %mul3A_248 : i32
        %add3A_250 = arith.constant 12288 : i32
        %add3A_251 = arith.addi %add3A_250, %mul3A_249 : i32
        %get3A_252 = arith.index_cast %add3A_251 : i32 to index
        %get3A_253 = tpu.vector_load %arg8[%get3A_252] {strides = array<i32>} : memref<16384xi32, #tpu.memory_space<vmem>>, vector<16xi32>,
        %gather3A_254 = tpu.vector_load_idx %arg6[%get3A_253] : memref<100000xf32, #tpu.memory_space<vmem>>[vector<16xi32>], vector<16xf32>,
        %mul3A_255 = arith.constant 16 : i32
        %mul3A_256 = arith.muli %add3A_247, %mul3A_255 : i32
        %swap3A_257 = arith.index_cast %mul3A_256 : i32 to index
        %swap3A_258 = tpu.vector_load %arg10[%swap3A_257] {strides = array<i32>} : memref<4096xf32, #tpu.memory_space<vmem>>, vector<16xf32>,
        tpu.vector_store %arg10[%swap3A_257], %gather3A_254 {strides = array<i32>} : memref<4096xf32, #tpu.memory_space<vmem>>, vector<16xf32>,
        %scan3A_259 = arith.constant 2 : i32
        %scan3A_260 = arith.addi %scan3A_227, %scan3A_259 : i32
        %mul3A_261 = arith.constant 1 : i32
        %mul3A_262 = arith.muli %scan3A_260, %mul3A_261 : i32
        %add3A_263 = arith.constant 0 : i32
        %add3A_264 = arith.addi %add3A_263, %mul3A_262 : i32
        %mul3A_265 = arith.constant 16 : i32
        %mul3A_266 = arith.muli %add3A_264, %mul3A_265 : i32
        %add3A_267 = arith.constant 12288 : i32
        %add3A_268 = arith.addi %add3A_267, %mul3A_266 : i32
        %get3A_269 = arith.index_cast %add3A_268 : i32 to index
        %get3A_270 = tpu.vector_load %arg8[%get3A_269] {strides = array<i32>} : memref<16384xi32, #tpu.memory_space<vmem>>, vector<16xi32>,
        %gather3A_271 = tpu.vector_load_idx %arg6[%get3A_270] : memref<100000xf32, #tpu.memory_space<vmem>>[vector<16xi32>], vector<16xf32>,
        %mul3A_272 = arith.constant 16 : i32
        %mul3A_273 = arith.muli %add3A_264, %mul3A_272 : i32
        %swap3A_274 = arith.index_cast %mul3A_273 : i32 to index
        %swap3A_275 = tpu.vector_load %arg10[%swap3A_274] {strides = array<i32>} : memref<4096xf32, #tpu.memory_space<vmem>>, vector<16xf32>,
        tpu.vector_store %arg10[%swap3A_274], %gather3A_271 {strides = array<i32>} : memref<4096xf32, #tpu.memory_space<vmem>>, vector<16xf32>,
        %scan3A_276 = arith.constant 3 : i32
        %scan3A_277 = arith.addi %scan3A_227, %scan3A_276 : i32
        %mul3A_278 = arith.constant 1 : i32
        %mul3A_279 = arith.muli %scan3A_277, %mul3A_278 : i32
        %add3A_280 = arith.constant 0 : i32
        %add3A_281 = arith.addi %add3A_280, %mul3A_279 : i32
        %mul3A_282 = arith.constant 16 : i32
        %mul3A_283 = arith.muli %add3A_281, %mul3A_282 : i32
        %add3A_284 = arith.constant 12288 : i32
        %add3A_285 = arith.addi %add3A_284, %mul3A_283 : i32
        %get3A_286 = arith.index_cast %add3A_285 : i32 to index
        %get3A_287 = tpu.vector_load %arg8[%get3A_286] {strides = array<i32>} : memref<16384xi32, #tpu.memory_space<vmem>>, vector<16xi32>,
        %gather3A_288 = tpu.vector_load_idx %arg6[%get3A_287] : memref<100000xf32, #tpu.memory_space<vmem>>[vector<16xi32>], vector<16xf32>,
        %mul3A_289 = arith.constant 16 : i32
        %mul3A_290 = arith.muli %add3A_281, %mul3A_289 : i32
        %swap3A_291 = arith.index_cast %mul3A_290 : i32 to index
        %swap3A_292 = tpu.vector_load %arg10[%swap3A_291] {strides = array<i32>} : memref<4096xf32, #tpu.memory_space<vmem>>, vector<16xf32>,
        tpu.vector_store %arg10[%swap3A_291], %gather3A_288 {strides = array<i32>} : memref<4096xf32, #tpu.memory_space<vmem>>, vector<16xf32>,
        %scan3A_293 = arith.constant 4 : i32
        %scan3A_294 = arith.addi %scan3A_227, %scan3A_293 : i32
        %mul3A_295 = arith.constant 1 : i32
        %mul3A_296 = arith.muli %scan3A_294, %mul3A_295 : i32
        %add3A_297 = arith.constant 0 : i32
        %add3A_298 = arith.addi %add3A_297, %mul3A_296 : i32
        %mul3A_299 = arith.constant 16 : i32
        %mul3A_300 = arith.muli %add3A_298, %mul3A_299 : i32
        %add3A_301 = arith.constant 12288 : i32
        %add3A_302 = arith.addi %add3A_301, %mul3A_300 : i32
        %get3A_303 = arith.index_cast %add3A_302 : i32 to index
        %get3A_304 = tpu.vector_load %arg8[%get3A_303] {strides = array<i32>} : memref<16384xi32, #tpu.memory_space<vmem>>, vector<16xi32>,
        %gather3A_305 = tpu.vector_load_idx %arg6[%get3A_304] : memref<100000xf32, #tpu.memory_space<vmem>>[vector<16xi32>], vector<16xf32>,
        %mul3A_306 = arith.constant 16 : i32
        %mul3A_307 = arith.muli %add3A_298, %mul3A_306 : i32
        %swap3A_308 = arith.index_cast %mul3A_307 : i32 to index
        %swap3A_309 = tpu.vector_load %arg10[%swap3A_308] {strides = array<i32>} : memref<4096xf32, #tpu.memory_space<vmem>>, vector<16xf32>,
        tpu.vector_store %arg10[%swap3A_308], %gather3A_305 {strides = array<i32>} : memref<4096xf32, #tpu.memory_space<vmem>>, vector<16xf32>,
        %scan3A_310 = arith.constant 5 : i32
        %scan3A_311 = arith.addi %scan3A_227, %scan3A_310 : i32
        %mul3A_312 = arith.constant 1 : i32
        %mul3A_313 = arith.muli %scan3A_311, %mul3A_312 : i32
        %add3A_314 = arith.constant 0 : i32
        %add3A_315 = arith.addi %add3A_314, %mul3A_313 : i32
        %mul3A_316 = arith.constant 16 : i32
        %mul3A_317 = arith.muli %add3A_315, %mul3A_316 : i32
        %add3A_318 = arith.constant 12288 : i32
        %add3A_319 = arith.addi %add3A_318, %mul3A_317 : i32
        %get3A_320 = arith.index_cast %add3A_319 : i32 to index
        %get3A_321 = tpu.vector_load %arg8[%get3A_320] {strides = array<i32>} : memref<16384xi32, #tpu.memory_space<vmem>>, vector<16xi32>,
        %gather3A_322 = tpu.vector_load_idx %arg6[%get3A_321] : memref<100000xf32, #tpu.memory_space<vmem>>[vector<16xi32>], vector<16xf32>,
        %mul3A_323 = arith.constant 16 : i32
        %mul3A_324 = arith.muli %add3A_315, %mul3A_323 : i32
        %swap3A_325 = arith.index_cast %mul3A_324 : i32 to index
        %swap3A_326 = tpu.vector_load %arg10[%swap3A_325] {strides = array<i32>} : memref<4096xf32, #tpu.memory_space<vmem>>, vector<16xf32>,
        tpu.vector_store %arg10[%swap3A_325], %gather3A_322 {strides = array<i32>} : memref<4096xf32, #tpu.memory_space<vmem>>, vector<16xf32>,
        %scan3A_327 = arith.constant 6 : i32
        %scan3A_328 = arith.addi %scan3A_227, %scan3A_327 : i32
        %mul3A_329 = arith.constant 1 : i32
        %mul3A_330 = arith.muli %scan3A_328, %mul3A_329 : i32
        %add3A_331 = arith.constant 0 : i32
        %add3A_332 = arith.addi %add3A_331, %mul3A_330 : i32
        %mul3A_333 = arith.constant 16 : i32
        %mul3A_334 = arith.muli %add3A_332, %mul3A_333 : i32
        %add3A_335 = arith.constant 12288 : i32
        %add3A_336 = arith.addi %add3A_335, %mul3A_334 : i32
        %get3A_337 = arith.index_cast %add3A_336 : i32 to index
        %get3A_338 = tpu.vector_load %arg8[%get3A_337] {strides = array<i32>} : memref<16384xi32, #tpu.memory_space<vmem>>, vector<16xi32>,
        %gather3A_339 = tpu.vector_load_idx %arg6[%get3A_338] : memref<100000xf32, #tpu.memory_space<vmem>>[vector<16xi32>], vector<16xf32>,
        %mul3A_340 = arith.constant 16 : i32
        %mul3A_341 = arith.muli %add3A_332, %mul3A_340 : i32
        %swap3A_342 = arith.index_cast %mul3A_341 : i32 to index
        %swap3A_343 = tpu.vector_load %arg10[%swap3A_342] {strides = array<i32>} : memref<4096xf32, #tpu.memory_space<vmem>>, vector<16xf32>,
        tpu.vector_store %arg10[%swap3A_342], %gather3A_339 {strides = array<i32>} : memref<4096xf32, #tpu.memory_space<vmem>>, vector<16xf32>,
        %scan3A_344 = arith.constant 7 : i32
        %scan3A_345 = arith.addi %scan3A_227, %scan3A_344 : i32
        %mul3A_346 = arith.constant 1 : i32
        %mul3A_347 = arith.muli %scan3A_345, %mul3A_346 : i32
        %add3A_348 = arith.constant 0 : i32
        %add3A_349 = arith.addi %add3A_348, %mul3A_347 : i32
        %mul3A_350 = arith.constant 16 : i32
        %mul3A_351 = arith.muli %add3A_349, %mul3A_350 : i32
        %add3A_352 = arith.constant 12288 : i32
        %add3A_353 = arith.addi %add3A_352, %mul3A_351 : i32
        %get3A_354 = arith.index_cast %add3A_353 : i32 to index
        %get3A_355 = tpu.vector_load %arg8[%get3A_354] {strides = array<i32>} : memref<16384xi32, #tpu.memory_space<vmem>>, vector<16xi32>,
        %gather3A_356 = tpu.vector_load_idx %arg6[%get3A_355] : memref<100000xf32, #tpu.memory_space<vmem>>[vector<16xi32>], vector<16xf32>,
        %mul3A_357 = arith.constant 16 : i32
        %mul3A_358 = arith.muli %add3A_349, %mul3A_357 : i32
        %swap3A_359 = arith.index_cast %mul3A_358 : i32 to index
        %swap3A_360 = tpu.vector_load %arg10[%swap3A_359] {strides = array<i32>} : memref<4096xf32, #tpu.memory_space<vmem>>, vector<16xf32>,
        tpu.vector_store %arg10[%swap3A_359], %gather3A_356 {strides = array<i32>} : memref<4096xf32, #tpu.memory_space<vmem>>, vector<16xf32>,
      }
      %scan3A_220 = arith.constant 256 : i32
      %dma_start3A_221 = arith.constant 12288 : i32
      %dma_start3A_222 = tpu.memref_slice %arg5[%add3A_28, %dma_start3A_221] : memref<416x16384xf32, #tpu.memory_space<hbm>> -> memref<1x4096xf32, #tpu.memory_space<hbm>>
      %dma_start3A_223 = tpu.memref_squeeze %dma_start3A_222 : memref<1x4096xf32, #tpu.memory_space<hbm>> -> memref<4096xf32, #tpu.memory_space<hbm>>
      %dma_start3A_224 = arith.constant 12288 : i32
      %dma_start3A_225 = tpu.memref_slice %arg5[%add3A_28, %dma_start3A_224] : memref<416x16384xf32, #tpu.memory_space<hbm>> -> memref<1x4096xf32, #tpu.memory_space<hbm>>
      %dma_start3A_226 = tpu.memref_squeeze %dma_start3A_225 : memref<1x4096xf32, #tpu.memory_space<hbm>> -> memref<4096xf32, #tpu.memory_space<hbm>>
      tpu.enqueue_dma source(%arg10 : memref<4096xf32, #tpu.memory_space<vmem>>) target(%dma_start3A_226 : memref<4096xf32, #tpu.memory_space<hbm>>) target_semaphore(%arg14 : memref<!tpu.dma_semaphore, #tpu.memory_space<semaphore_mem>>)
    }
    %scan3A_4 = arith.constant 13 : i32
    %mul3A_5 = arith.constant 13 : i32
    %mul3A_6 = arith.muli %add3A, %mul3A_5 : i32
    %add3A_7 = arith.constant 13 : i32
    %add3A_8 = arith.addi %mul3A_6, %add3A_7 : i32
    %sub3A = arith.constant 1 : i32
    %sub3A_9 = arith.subi %add3A_8, %sub3A : i32
    %dma_wait3A = arith.constant 8192 : i32
    %dma_wait3A_10 = tpu.memref_slice %arg5[%sub3A_9, %dma_wait3A] : memref<416x16384xf32, #tpu.memory_space<hbm>> -> memref<1x4096xf32, #tpu.memory_space<hbm>>
    %dma_wait3A_11 = tpu.memref_squeeze %dma_wait3A_10 : memref<1x4096xf32, #tpu.memory_space<hbm>> -> memref<4096xf32, #tpu.memory_space<hbm>>
    %dma_wait3A_12 = arith.constant 8192 : i32
    %dma_wait3A_13 = tpu.memref_slice %arg5[%sub3A_9, %dma_wait3A_12] : memref<416x16384xf32, #tpu.memory_space<hbm>> -> memref<1x4096xf32, #tpu.memory_space<hbm>>
    %dma_wait3A_14 = tpu.memref_squeeze %dma_wait3A_13 : memref<1x4096xf32, #tpu.memory_space<hbm>> -> memref<4096xf32, #tpu.memory_space<hbm>>
    tpu.wait_dma2 semaphore(%arg13 : memref<!tpu.dma_semaphore, #tpu.memory_space<semaphore_mem>>) src(%arg9 : memref<4096xf32, #tpu.memory_space<vmem>>) dst(%dma_wait3A_14 : memref<4096xf32, #tpu.memory_space<hbm>>)
    %dma_wait3A_15 = arith.constant 12288 : i32
    %dma_wait3A_16 = tpu.memref_slice %arg5[%sub3A_9, %dma_wait3A_15] : memref<416x16384xf32, #tpu.memory_space<hbm>> -> memref<1x4096xf32, #tpu.memory_space<hbm>>
    %dma_wait3A_17 = tpu.memref_squeeze %dma_wait3A_16 : memref<1x4096xf32, #tpu.memory_space<hbm>> -> memref<4096xf32, #tpu.memory_space<hbm>>
    %dma_wait3A_18 = arith.constant 12288 : i32
    %dma_wait3A_19 = tpu.memref_slice %arg5[%sub3A_9, %dma_wait3A_18] : memref<416x16384xf32, #tpu.memory_space<hbm>> -> memref<1x4096xf32, #tpu.memory_space<hbm>>
    %dma_wait3A_20 = tpu.memref_squeeze %dma_wait3A_19 : memref<1x4096xf32, #tpu.memory_space<hbm>> -> memref<4096xf32, #tpu.memory_space<hbm>>
    tpu.wait_dma2 semaphore(%arg14 : memref<!tpu.dma_semaphore, #tpu.memory_space<semaphore_mem>>) src(%arg10 : memref<4096xf32, #tpu.memory_space<vmem>>) dst(%dma_wait3A_20 : memref<4096xf32, #tpu.memory_space<hbm>>)
    return
  }
}

module attributes {stable_mosaic.version = 14 : i64} {
  func.func @_mlp_body_t(%arg0: i32, %arg1: memref<416x2048xf32, #tpu.memory_space<vmem>>, %arg2: memref<13x2048xf32, #tpu.memory_space<vmem>>, %arg3: memref<416x1xf32, #tpu.memory_space<vmem>>, %arg4: memref<1024x416xbf16, #tpu.memory_space<vmem>>, %arg5: memref<1024x13xbf16, #tpu.memory_space<vmem>>, %arg6: memref<1024x1xf32, #tpu.memory_space<vmem>>, %arg7: memref<512x1024xbf16, #tpu.memory_space<vmem>>, %arg8: memref<512x1xf32, #tpu.memory_space<vmem>>, %arg9: memref<256x512xbf16, #tpu.memory_space<vmem>>, %arg10: memref<256x1xf32, #tpu.memory_space<vmem>>, %arg11: memref<256x1xf32, #tpu.memory_space<vmem>>, %arg12: memref<1x1xf32, #tpu.memory_space<vmem>>, %arg13: memref<1x2048xf32, #tpu.memory_space<vmem>>) attributes {dimension_semantics = [#tpu.dimension_semantics<arbitrary>], iteration_bounds = array<i64: 8>, scalar_prefetch = 0 : i64, scratch_operands = 0 : i64, tpu.core_type = #tpu.core_type<tc>, window_params = [{transform_indices = @transform_0, window_bounds = array<i64: 416, 2048>}, {transform_indices = @transform_1, window_bounds = array<i64: 13, 2048>}, {pipeline_mode = #tpu.pipeline_mode<synchronous>, transform_indices = @transform_2, window_bounds = array<i64: 416, 1>}, {pipeline_mode = #tpu.pipeline_mode<synchronous>, transform_indices = @transform_3, window_bounds = array<i64: 1024, 416>}, {pipeline_mode = #tpu.pipeline_mode<synchronous>, transform_indices = @transform_4, window_bounds = array<i64: 1024, 13>}, {pipeline_mode = #tpu.pipeline_mode<synchronous>, transform_indices = @transform_5, window_bounds = array<i64: 1024, 1>}, {pipeline_mode = #tpu.pipeline_mode<synchronous>, transform_indices = @transform_6, window_bounds = array<i64: 512, 1024>}, {pipeline_mode = #tpu.pipeline_mode<synchronous>, transform_indices = @transform_7, window_bounds = array<i64: 512, 1>}, {pipeline_mode = #tpu.pipeline_mode<synchronous>, transform_indices = @transform_8, window_bounds = array<i64: 256, 512>}, {pipeline_mode = #tpu.pipeline_mode<synchronous>, transform_indices = @transform_9, window_bounds = array<i64: 256, 1>}, {pipeline_mode = #tpu.pipeline_mode<synchronous>, transform_indices = @transform_10, window_bounds = array<i64: 256, 1>}, {pipeline_mode = #tpu.pipeline_mode<synchronous>, transform_indices = @transform_11, window_bounds = array<i64: 1, 1>}, {transform_indices = @transform_12, window_bounds = array<i64: 1, 2048>}]} {
    %get3A = arith.constant 0 : index
    %get3A_0 = arith.constant 0 : index
    %get3A_1 = vector.load %arg1[%get3A, %get3A_0] : memref<416x2048xf32, #tpu.memory_space<vmem>>, vector<416x2048xf32>
    %convert_element_type3A = arith.truncf %get3A_1 : vector<416x2048xf32> to vector<416x2048xbf16>
    %get3A_2 = arith.constant 0 : index
    %get3A_3 = arith.constant 0 : index
    %get3A_4 = vector.load %arg2[%get3A_2, %get3A_3] : memref<13x2048xf32, #tpu.memory_space<vmem>>, vector<13x2048xf32>
    %convert_element_type3A_5 = arith.truncf %get3A_4 : vector<13x2048xf32> to vector<13x2048xbf16>
    %get3A_6 = arith.constant 0 : index
    %get3A_7 = arith.constant 0 : index
    %get3A_8 = vector.load %arg3[%get3A_6, %get3A_7] : memref<416x1xf32, #tpu.memory_space<vmem>>, vector<416x1xf32>
    %mul3A = vector.broadcast %get3A_8 : vector<416x1xf32> to vector<416x2048xf32>
    %mul3A_9 = arith.mulf %get3A_1, %mul3A : vector<416x2048xf32>
    %reduce_sum3A = arith.constant dense<0.000000e+00> : vector<2048xf32>
    %reduce_sum3A_10 = vector.multi_reduction <add>, %mul3A_9, %reduce_sum3A [0] : vector<416x2048xf32> to vector<2048xf32>
    %broadcast_in_dim3A = vector.shape_cast %reduce_sum3A_10 : vector<2048xf32> to vector<1x2048xf32>
    %get3A_11 = arith.constant 0 : index
    %get3A_12 = arith.constant 0 : index
    %get3A_13 = vector.load %arg4[%get3A_11, %get3A_12] : memref<1024x416xbf16, #tpu.memory_space<vmem>>, vector<1024x416xbf16>
    %dot_general3A = arith.constant dense<0.000000e+00> : vector<1024x2048xf32>
    %dot_general3A_14 = tpu.matmul %get3A_13, %convert_element_type3A, %dot_general3A {dimension_numbers = #tpu.dot_dimension_numbers<[1], [0], [0], [1], [0, 0, 1, 1], [], []>, transpose_lhs_hint = false} : vector<1024x416xbf16>, vector<416x2048xbf16>, vector<1024x2048xf32> -> vector<1024x2048xf32>
    %get3A_15 = arith.constant 0 : index
    %get3A_16 = arith.constant 0 : index
    %get3A_17 = vector.load %arg5[%get3A_15, %get3A_16] : memref<1024x13xbf16, #tpu.memory_space<vmem>>, vector<1024x13xbf16>
    %dot_general3A_18 = arith.constant dense<0.000000e+00> : vector<1024x2048xf32>
    %dot_general3A_19 = tpu.matmul %get3A_17, %convert_element_type3A_5, %dot_general3A_18 {dimension_numbers = #tpu.dot_dimension_numbers<[1], [0], [0], [1], [0, 0, 1, 1], [], []>, transpose_lhs_hint = false} : vector<1024x13xbf16>, vector<13x2048xbf16>, vector<1024x2048xf32> -> vector<1024x2048xf32>
    %add3A = arith.addf %dot_general3A_14, %dot_general3A_19 : vector<1024x2048xf32>
    %get3A_20 = arith.constant 0 : index
    %get3A_21 = arith.constant 0 : index
    %get3A_22 = vector.load %arg6[%get3A_20, %get3A_21] : memref<1024x1xf32, #tpu.memory_space<vmem>>, vector<1024x1xf32>
    %add3A_23 = vector.broadcast %get3A_22 : vector<1024x1xf32> to vector<1024x2048xf32>
    %add3A_24 = arith.addf %add3A, %add3A_23 : vector<1024x2048xf32>
    %max3A = arith.constant 0.000000e+00 : f32
    %max3A_25 = vector.broadcast %max3A : f32 to vector<1024x2048xf32>
    %max3A_26 = arith.maximumf %add3A_24, %max3A_25 : vector<1024x2048xf32>
    %get3A_27 = arith.constant 0 : index
    %get3A_28 = arith.constant 0 : index
    %get3A_29 = vector.load %arg7[%get3A_27, %get3A_28] : memref<512x1024xbf16, #tpu.memory_space<vmem>>, vector<512x1024xbf16>
    %convert_element_type3A_30 = arith.truncf %max3A_26 : vector<1024x2048xf32> to vector<1024x2048xbf16>
    %dot_general3A_31 = arith.constant dense<0.000000e+00> : vector<512x2048xf32>
    %dot_general3A_32 = tpu.matmul %get3A_29, %convert_element_type3A_30, %dot_general3A_31 {dimension_numbers = #tpu.dot_dimension_numbers<[1], [0], [0], [1], [0, 0, 1, 1], [], []>, transpose_lhs_hint = false} : vector<512x1024xbf16>, vector<1024x2048xbf16>, vector<512x2048xf32> -> vector<512x2048xf32>
    %get3A_33 = arith.constant 0 : index
    %get3A_34 = arith.constant 0 : index
    %get3A_35 = vector.load %arg8[%get3A_33, %get3A_34] : memref<512x1xf32, #tpu.memory_space<vmem>>, vector<512x1xf32>
    %add3A_36 = vector.broadcast %get3A_35 : vector<512x1xf32> to vector<512x2048xf32>
    %add3A_37 = arith.addf %dot_general3A_32, %add3A_36 : vector<512x2048xf32>
    %max3A_38 = arith.constant 0.000000e+00 : f32
    %max3A_39 = vector.broadcast %max3A_38 : f32 to vector<512x2048xf32>
    %max3A_40 = arith.maximumf %add3A_37, %max3A_39 : vector<512x2048xf32>
    %get3A_41 = arith.constant 0 : index
    %get3A_42 = arith.constant 0 : index
    %get3A_43 = vector.load %arg9[%get3A_41, %get3A_42] : memref<256x512xbf16, #tpu.memory_space<vmem>>, vector<256x512xbf16>
    %convert_element_type3A_44 = arith.truncf %max3A_40 : vector<512x2048xf32> to vector<512x2048xbf16>
    %dot_general3A_45 = arith.constant dense<0.000000e+00> : vector<256x2048xf32>
    %dot_general3A_46 = tpu.matmul %get3A_43, %convert_element_type3A_44, %dot_general3A_45 {dimension_numbers = #tpu.dot_dimension_numbers<[1], [0], [0], [1], [0, 0, 1, 1], [], []>, transpose_lhs_hint = false} : vector<256x512xbf16>, vector<512x2048xbf16>, vector<256x2048xf32> -> vector<256x2048xf32>
    %get3A_47 = arith.constant 0 : index
    %get3A_48 = arith.constant 0 : index
    %get3A_49 = vector.load %arg10[%get3A_47, %get3A_48] : memref<256x1xf32, #tpu.memory_space<vmem>>, vector<256x1xf32>
    %add3A_50 = vector.broadcast %get3A_49 : vector<256x1xf32> to vector<256x2048xf32>
    %add3A_51 = arith.addf %dot_general3A_46, %add3A_50 : vector<256x2048xf32>
    %max3A_52 = arith.constant 0.000000e+00 : f32
    %max3A_53 = vector.broadcast %max3A_52 : f32 to vector<256x2048xf32>
    %max3A_54 = arith.maximumf %add3A_51, %max3A_53 : vector<256x2048xf32>
    %get3A_55 = arith.constant 0 : index
    %get3A_56 = arith.constant 0 : index
    %get3A_57 = vector.load %arg11[%get3A_55, %get3A_56] : memref<256x1xf32, #tpu.memory_space<vmem>>, vector<256x1xf32>
    %mul3A_58 = vector.broadcast %get3A_57 : vector<256x1xf32> to vector<256x2048xf32>
    %mul3A_59 = arith.mulf %max3A_54, %mul3A_58 : vector<256x2048xf32>
    %reduce_sum3A_60 = arith.constant dense<0.000000e+00> : vector<2048xf32>
    %reduce_sum3A_61 = vector.multi_reduction <add>, %mul3A_59, %reduce_sum3A_60 [0] : vector<256x2048xf32> to vector<2048xf32>
    %broadcast_in_dim3A_62 = vector.shape_cast %reduce_sum3A_61 : vector<2048xf32> to vector<1x2048xf32>
    %add3A_63 = arith.addf %broadcast_in_dim3A, %broadcast_in_dim3A_62 : vector<1x2048xf32>
    %get3A_64 = arith.constant 0 : index
    %get3A_65 = arith.constant 0 : index
    %get3A_66 = vector.load %arg12[%get3A_64, %get3A_65] : memref<1x1xf32, #tpu.memory_space<vmem>>, vector<1x1xf32>
    %add3A_67 = vector.broadcast %get3A_66 : vector<1x1xf32> to vector<1x2048xf32>
    %add3A_68 = arith.addf %add3A_63, %add3A_67 : vector<1x2048xf32>
    %mul3A_69 = arith.constant 5.000000e-01 : f32
    %mul3A_70 = vector.broadcast %mul3A_69 : f32 to vector<1x2048xf32>
    %mul3A_71 = arith.mulf %mul3A_70, %add3A_68 : vector<1x2048xf32>
    %logistic3A = arith.negf %mul3A_71 : vector<1x2048xf32>
    %logistic3A_72 = math.exp %logistic3A : vector<1x2048xf32>
    %logistic3A_73 = arith.constant 1.000000e+00 : f32
    %logistic3A_74 = vector.broadcast %logistic3A_73 : f32 to vector<1x2048xf32>
    %logistic3A_75 = arith.addf %logistic3A_74, %logistic3A_72 : vector<1x2048xf32>
    %logistic3A_76 = arith.divf %logistic3A_74, %logistic3A_75 : vector<1x2048xf32>
    %swap3A = arith.constant 0 : index
    %swap3A_77 = arith.constant 0 : index
    %swap3A_78 = vector.load %arg13[%swap3A, %swap3A_77] : memref<1x2048xf32, #tpu.memory_space<vmem>>, vector<1x2048xf32>
    tpu.vector_store %arg13[%swap3A, %swap3A_77], %logistic3A_76 {strides = array<i32>} : memref<1x2048xf32, #tpu.memory_space<vmem>>, vector<1x2048xf32>,
    return
  }
  func.func @transform_0(%arg0: i32) -> (i32, i32) {
    %c0_i32 = arith.constant 0 : i32
    %c0_i32_0 = arith.constant 0 : i32
    return %c0_i32, %arg0 : i32, i32
  }
  func.func @transform_1(%arg0: i32) -> (i32, i32) {
    %c0_i32 = arith.constant 0 : i32
    %c0_i32_0 = arith.constant 0 : i32
    return %c0_i32, %arg0 : i32, i32
  }
  func.func @transform_2(%arg0: i32) -> (i32, i32) {
    %c0_i32 = arith.constant 0 : i32
    %c0_i32_0 = arith.constant 0 : i32
    %c0_i32_1 = arith.constant 0 : i32
    return %c0_i32, %c0_i32_0 : i32, i32
  }
  func.func @transform_3(%arg0: i32) -> (i32, i32) {
    %c0_i32 = arith.constant 0 : i32
    %c0_i32_0 = arith.constant 0 : i32
    %c0_i32_1 = arith.constant 0 : i32
    return %c0_i32, %c0_i32_0 : i32, i32
  }
  func.func @transform_4(%arg0: i32) -> (i32, i32) {
    %c0_i32 = arith.constant 0 : i32
    %c0_i32_0 = arith.constant 0 : i32
    %c0_i32_1 = arith.constant 0 : i32
    return %c0_i32, %c0_i32_0 : i32, i32
  }
  func.func @transform_5(%arg0: i32) -> (i32, i32) {
    %c0_i32 = arith.constant 0 : i32
    %c0_i32_0 = arith.constant 0 : i32
    %c0_i32_1 = arith.constant 0 : i32
    return %c0_i32, %c0_i32_0 : i32, i32
  }
  func.func @transform_6(%arg0: i32) -> (i32, i32) {
    %c0_i32 = arith.constant 0 : i32
    %c0_i32_0 = arith.constant 0 : i32
    %c0_i32_1 = arith.constant 0 : i32
    return %c0_i32, %c0_i32_0 : i32, i32
  }
  func.func @transform_7(%arg0: i32) -> (i32, i32) {
    %c0_i32 = arith.constant 0 : i32
    %c0_i32_0 = arith.constant 0 : i32
    %c0_i32_1 = arith.constant 0 : i32
    return %c0_i32, %c0_i32_0 : i32, i32
  }
  func.func @transform_8(%arg0: i32) -> (i32, i32) {
    %c0_i32 = arith.constant 0 : i32
    %c0_i32_0 = arith.constant 0 : i32
    %c0_i32_1 = arith.constant 0 : i32
    return %c0_i32, %c0_i32_0 : i32, i32
  }
  func.func @transform_9(%arg0: i32) -> (i32, i32) {
    %c0_i32 = arith.constant 0 : i32
    %c0_i32_0 = arith.constant 0 : i32
    %c0_i32_1 = arith.constant 0 : i32
    return %c0_i32, %c0_i32_0 : i32, i32
  }
  func.func @transform_10(%arg0: i32) -> (i32, i32) {
    %c0_i32 = arith.constant 0 : i32
    %c0_i32_0 = arith.constant 0 : i32
    %c0_i32_1 = arith.constant 0 : i32
    return %c0_i32, %c0_i32_0 : i32, i32
  }
  func.func @transform_11(%arg0: i32) -> (i32, i32) {
    %c0_i32 = arith.constant 0 : i32
    %c0_i32_0 = arith.constant 0 : i32
    %c0_i32_1 = arith.constant 0 : i32
    return %c0_i32, %c0_i32_0 : i32, i32
  }
  func.func @transform_12(%arg0: i32) -> (i32, i32) {
    %c0_i32 = arith.constant 0 : i32
    %c0_i32_0 = arith.constant 0 : i32
    return %c0_i32, %arg0 : i32, i32
  }
}

</mosaic_0001>

<sc_bundles>
// kernel: kernel.4.cloned.1.call-start
scs
__scs_entry_jumppad:
0x0: {  	(pc) =	sbr.rel $0x88, $3  }
0x1: {  	(tag) =	ssettag $0x0;
	lr =	simm.s32 $0x1  }
0x2: {  	[smem:$0x3F94] =	sst lr;
	_ =	strace $0xD0000000  }
0x3: {  	_ = 	snop  }
0x4: {  	_ = 	snop  }
0x5: {  	_ = 	snop  }
0x6: {  	_ = 	snop  }
0x7: {  	_ = 	snop  }
__scs_overlays_trampoline_lowered:
0x8: {  	[smem:$0x3FA3] =	sst s0  }
0x9: {  	[smem:$0x3FA4] =	sst s1  }
0xa: {  	[smem:$0x3FA5] =	sst s2  }
0xb: {  	[smem:$0x3FA6] =	sst s3  }
0xc: {  	[smem:$0x3FA7] =	sst s4  }
0xd: {  	[smem:$0x3FA8] =	sst s5  }
0xe: {  	[smem:$0x3FA9] =	sst s6  }
0xf: {  	[smem:$0x3FAA] =	sst s7  }
0x10: {  	[smem:$0x3FAB] =	sst s8  }
0x11: {  	[smem:$0x3FAC] =	sst s9;
	s0 =	simm.s32 @!p0 $0x0  }
0x12: {  	s1 =	sld [smem:$0x3F92];
	s0 =	simm.s32 @p0 $0x1  }
0x13: {  	[smem:$0x3FAD] =	sst s0;
	s0 =	simm.s32 @!p1 $0x0  }
0x14: {  	s2 =	sld [smem:$0x3F91];
	s0 =	simm.s32 @p1 $0x1  }
0x15: {  	[smem:$0x3FAE] =	sst s0;
	s0 =	simm.s32 @!p2 $0x0  }
0x16: {  	s3 =	sld [smem:$0x3FDB];
	s0 =	simm.s32 @p2 $0x1  }
0x17: {  	s4 =	simm.s32 $0x1BF5;
	[smem:$0x3FB0] =	sst s0  }
0x18: {  	s0 =	sld [smem:$0x3F93];
	_ =	swait.ge [sflag:s4], $0x0  }
0x19: {  	s7 =	sld [smem:$0x3F94]  }
0x1a: {  	s8 =	sadd.s32 $0xFFFFE003, lr  }
0x1b: {  	s9 =	sadd.s32 $0xFFFFFEF7, lr;
	s5 =	simm.s32 $0xFFFFFFFF;
	p2 =	slt.u32 s8, $0xFFFFF086  }
0x1c: {  	p1 =	slt.u32 s9, $0xF7A;
	s5 =	simm.s32 @!p2 $0x0  }
0x1d: {  	s5 =	simm.s32 @p1 $0x1;
	p0 =	seq.s32 s7, s2  }
0x1e: {  	s7 =	smul.u32 @!p0 $0xF7A, s2;
	p2 =	seq.s32 @!p0 s5, $0x0  }
0x1f: {  	s9 =	smul.u32 $0xF7A, s1;
	s8 =	simm.s32 @!p0 $0x1BF5;
	p2 =	por !p2, p0  }
0x20: {  	[sflag:s8] =	ssyncset.s32 @!p0 $0xFFFFF086;
	s6 =	sadd.s32 @!p0 s3, s7;
	s7 =	simm.s32 @!p0 $0x108  }
0x21: {  	s3 =	sadd.s32 s3, s9;
	s6 =	sadd.s32 @!p0 $0x88, s6;
	s7 =	simm.s32 @p2 $0x1082  }
0x22: {  	[simem:s7], [sflag:s8] =	dma.local @!p0 [hbm:s6], $0xF7A  }
0x23: {  	s9 =	sor.u32 $0xD0000000, s2;
	s6 =	simm.s32 $0x108;
	_ =	swait.ge @!p0 [sflag:s8], $0x0  }
0x24: {  	s3 =	sadd.s32 $0x88, s3;
	s6 =	simm.s32 @!p1 $0x1082;
	[sflag:s4] =	ssyncset.s32 $0xFFFFF086  }
0x25: {  	[simem:s6], [sflag:s4] =	dma.local [hbm:s3], $0xF7A  }
0x26: {  	[smem:$0x3F94] =	sst s1;
	(tag) =	ssettag s2;
	_ =	strace s9  }
0x27: {  	s1 =	sld [smem:$0x3FA4]  }
0x28: {  	s2 =	sld [smem:$0x3FA5]  }
0x29: {  	s4 =	sld [smem:$0x3FA7]  }
0x2a: {  	p0 =	seq.s32 s5, $0x0;
	s5 =	sld [smem:$0x3FA8]  }
0x2b: {  	s6 =	sld [smem:$0x3FA9]  }
0x2c: {  	s7 =	sld [smem:$0x3FAA]  }
0x2d: {  	s3 =	simm.s32 $0x108;
	s8 =	sld [smem:$0x3FAB]  }
0x2e: {  	s3 =	simm.s32 @!p0 $0x1082;
	s9 =	sld [smem:$0x3FAC]  }
0x2f: {  	lr =	sadd.s32 s0, s3;
	s0 =	sld [smem:$0x3FA3]  }
0x30: {  	s3 =	sld [smem:$0x3FA6]  }
0x31: {  	[smem:$0x3FAF] =	sst s10  }
0x32: {  	s10 =	sld [smem:$0x3FAD];
	_ =	sdelay $0x3  }
0x33: {  	p0 =	seq.s32 s10, $0x1;
	s10 =	sld [smem:$0x3FAF];
	_ =	sdelay $0x3  }
0x34: {  	[smem:$0x3FAF] =	sst s10  }
0x35: {  	s10 =	sld [smem:$0x3FAE];
	_ =	sdelay $0x3  }
0x36: {  	p1 =	seq.s32 s10, $0x1;
	s10 =	sld [smem:$0x3FAF];
	_ =	sdelay $0x3  }
0x37: {  	[smem:$0x3FAF] =	sst s10  }
0x38: {  	s10 =	sld [smem:$0x3FB0]  }
0x39: {  	_ = 	snop;
	(pc) =	sbr.ind lr, $3  }
0x3a: {  	_ = 	snop  }
0x3b: {  	_ = 	snop  }
0x3c: {  	p2 =	seq.s32 s10, $0x1;
	s10 =	sld [smem:$0x3FAF]  }
0x3d: {  	_ =	shalt  }
0x3e: {  	_ =	shalt  }
0x3f: {  	_ =	shalt  }
0x40: {  	_ =	shalt  }
0x41: {  	_ =	shalt  }
0x42: {  	_ =	shalt  }
0x43: {  	_ =	shalt  }
0x44: {  	_ =	shalt  }
0x45: {  	_ =	shalt  }
0x46: {  	_ =	shalt  }
0x47: {  	_ =	shalt  }
0x48: {  	_ =	shalt  }
0x49: {  	_ =	shalt  }
0x4a: {  	_ =	shalt  }
0x4b: {  	_ =	shalt  }
0x4c: {  	_ =	shalt  }
0x4d: {  	_ =	shalt  }
0x4e: {  	_ =	shalt  }
0x4f: {  	_ =	shalt  }
0x50: {  	_ =	shalt  }
0x51: {  	_ =	shalt  }
0x52: {  	_ =	shalt  }
0x53: {  	_ =	shalt  }
0x54: {  	_ =	shalt  }
0x55: {  	_ =	shalt  }
0x56: {  	_ =	shalt  }
0x57: {  	_ =	shalt  }
0x58: {  	_ =	shalt  }
0x59: {  	_ =	shalt  }
0x5a: {  	_ =	shalt  }
0x5b: {  	_ =	shalt  }
0x5c: {  	_ =	shalt  }
0x5d: {  	_ =	shalt  }
0x5e: {  	_ =	shalt  }
0x5f: {  	_ =	shalt  }
0x60: {  	_ =	shalt  }
0x61: {  	_ =	shalt  }
0x62: {  	_ =	shalt  }
0x63: {  	_ =	shalt  }
0x64: {  	_ =	shalt  }
0x65: {  	_ =	shalt  }
0x66: {  	_ =	shalt  }
0x67: {  	_ =	shalt  }
0x68: {  	_ =	shalt  }
0x69: {  	_ =	shalt  }
0x6a: {  	_ =	shalt  }
0x6b: {  	_ =	shalt  }
0x6c: {  	_ =	shalt  }
0x6d: {  	_ =	shalt  }
0x6e: {  	_ =	shalt  }
0x6f: {  	_ =	shalt  }
0x70: {  	_ =	shalt  }
0x71: {  	_ =	shalt  }
0x72: {  	_ =	shalt  }
0x73: {  	_ =	shalt  }
0x74: {  	_ =	shalt  }
0x75: {  	_ =	shalt  }
0x76: {  	_ =	shalt  }
0x77: {  	_ =	shalt  }
0x78: {  	_ =	shalt  }
0x79: {  	_ =	shalt  }
0x7a: {  	_ =	shalt  }
0x7b: {  	_ =	shalt  }
0x7c: {  	_ =	shalt  }
0x7d: {  	_ =	shalt  }
0x7e: {  	_ =	shalt  }
0x7f: {  	_ =	shalt  }
0x80: {  	_ =	shalt  }
0x81: {  	_ =	shalt  }
0x82: {  	_ =	shalt  }
0x83: {  	_ =	shalt  }
0x84: {  	_ =	shalt  }
0x85: {  	_ =	shalt  }
0x86: {  	_ =	shalt  }
0x87: {  	_ =	shalt  }
.Lfunc_end0:
.L_simem_size_0:
called_computation_lowered:
.L_overlay_start_0:
0x88: {  	s2 =	sld [smem:$0x3FD9]  }
0x89: {  	s3 =	sld [smem:$0x3FFE];
	_ =	sdelay $0x1  }
0x8a: {  	s1 =	srdreg.scid  }
0x8b: {  	s0 =	sand.u32 $0x1, s1  }
0x8c: {  	s17 =	sshll.u32 s0, $0xA;
	s2 =	sadd.s32 s3, s2  }
0x8d: {  	s2 =	sadd.s32 s2, s17  }
0x8e: {  	[smem:$0x3FBB] =	sst s2  }
0x8f: {  	_ = 	snop  }
0x90: {  	s2 =	sld [smem:$0x3FC8]  }
0x91: {  	s18 =	sld [smem:$0x3FC7];
	(tm) =	ssettm $0x1  }
0x92: {  	s4 =	sld [smem:$0x3FFB];
	_ =	sdelay $0x3  }
0x93: {  	_ =	strace s4  }
0x94: {  	s4 =	sld [smem:$0x3FFC];
	_ =	sdelay $0x3  }
0x95: {  	_ =	strace s4  }
0x96: {  	s4 =	sld [smem:$0x3FFD];
	_ =	sdelay $0x3  }
0x97: {  	_ =	strace s4  }
0x98: {  	_ =	strace $0x8FFFFFFF  }
0x99: {  	s19 =	sld [smem:$0x3FDB];
	_ =	sdelay $0x1  }
0x9a: {  	s5 =	simm.s32 $_scs_section_size  }
0x9b: {  	s6 =	simm.s32 $_size__tile_overlayer_lowered;
	s7 =	simm.s32 $_tile_overlayer_lowered  }
0x9c: {  	s22 =	simm.s32 $0x1BFF;
	s21 =	sshll.u32 s7, $0x1;
	s4 =	sadd.s32 s5, s19  }
0x9d: {  	s8 =	simm.s32 $0x0;
	s20 =	sshll.u32 s6, $0x1;
	s6 =	sadd.s32 s21, s4  }
0x9e: {  	[timem:s8], [sflag:s22] =	dma.local [hbm:s6], s20  }
0x9f: {  	_ =	swait.ge [sflag:s22], s20  }
0xa0: {  	s5 =	ssub.s32 $0x0, s20;
	[sflag:s22] =	ssyncset.done $0x0  }
0xa1: {  	[sflag:s22] =	ssyncadd.s32 s5;
	_ =	sdelay $0x1  }
0xa2: {  	s23 =	simm.s32 $0x1B8B  }
0xa3: {  	_ =	swait.ge [sflag:s23], $0x1  }
0xa4: {  	[sflag:s23] =	ssyncset.done $0x0  }
0xa5: {  	s25 =	simm.s32 $0x1B8E;
	s24 =	sld [smem:$0x3FFE];
	[sflag:s23] =	ssyncadd.s32 $0xFFFFFFFF  }
0xa6: {  	s26 =	simm.s32 $execute0_lowered;
	[smem:$0x3FD2] =	sst s25  }
0xa7: {  	s6 =	sshll.u32 s26, $0x1;
	_ =	strace $0x80000046;
	[dreg:$0x1] =	wrdreg $0xFFFFFFFF  }
0xa8: {  	s28 =	simm.s32 $_size_execute0_lowered;
	s4 =	sadd.s32 s4, s6;
	[dreg:$0x0] =	wrdreg $0x0  }
0xa9: {  	s6 =	sshll.u32 s28, $0x1;
	[dreg:$0x2] =	wrdreg s4  }
0xaa: {  	[dreg:$0x3] =	wrdreg s6  }
0xab: {  	[dreg:$0x4] =	wrdreg $0xC0  }
0xac: {  	_ =	task [dreg:s8], $0x5FFFF  }
0xad: {  	[dreg:$0x1] =	wrdreg $0xFFFFFFFF  }
0xae: {  	[dreg:$0x0] =	wrdreg $0x60  }
0xaf: {  	[dreg:$0x2] =	wrdreg s18  }
0xb0: {  	[dreg:$0x3] =	wrdreg s24  }
0xb1: {  	[dreg:$0x4] =	wrdreg s2  }
0xb2: {  	[dreg:$0x5] =	wrdreg $0x9  }
0xb3: {  	_ =	task.clear_ibuf [dreg:s8], $0x6FFFF;
	_ =	strace $0x90000046  }
0xb4: {  	s29 =	simm.s32 $0x9;
	_ =	strace $0x80000048  }
0xb5: {  	_ =	swait.ge [sflag:s29], $0x1  }
0xb6: {  	[sflag:s29] =	ssyncadd.s32 $0xFFFFFFFF  }
0xb7: {  	_ =	strace $0x90000048  }
0xb8: {  	_ =	sfence  }
0xb9: {  	s30 =	sld [smem:$0x0];
	_ =	sdelay $0x2  }
0xba: {  	s31 =	sshll.u32 s1, $0xD;
	s1 =	sshrl.u32 s1, $0x2  }
0xbb: {  	s3 =	sand.u32 $0x4000, s31;
	s1 =	sadd.s32 s1, s30  }
0xbc: {  	s0 =	sor.u32 s3, s0;
	s1 =	sshll.u32 s1, $0x11  }
0xbd: {  	s0 =	sor.u32 s1, s0  }
0xbe: {  	s0 =	sadd.s32 $0x8F2B, s0  }
0xbf: {  	[sflag:s0] =	ssyncadd.remote.s32 $0x1  }
0xc0: {  	_ =	sfence.sel $0xFFFF  }
0xc1: {  	[dreg:$0x0] =	wrdreg $0xFFFFFFFF;
	(pc) =	sbr.abs _section_cstart, $3  }
0xc2: {  	[dreg:$0x1] =	wrdreg $0xFFFFFFFF  }
0xc3: {  	_ =	task.clear_ibuf [dreg:s8], $0x2FFFF;
	_ =	strace $0x9FFFFFFF  }
0xc4: {  	(tm) =	ssettm $0x7FFFFFFF  }
0xc5: {  	_ =	shalt  }
tec
execute0_lowered:
.L_overlay_start_1:
0x0: {  	(tag) =	ssettag $0x1  }
0x1: {  	s1 =	rddreg [dreg:$0x0]  }
0x2: {  	s0 =	rddreg [dreg:$0x1]  }
0x3: {  	s2 =	rddreg [dreg:$0x2];
	s4 =	simm.s32 $0x0;
	s5 =	srdreg.scid  }
0x4: {  	s3 =	stileid.u32;
	s12 =	simm.s32 $0x18700;
	s13 =	simm.s32 $0x80  }
0x5: {  	s14 =	simm.s32 $0x400;
	s15 =	simm.s32 $0x6400;
	s16 =	simm.s32 $0xC800  }
0x6: {  	s17 =	simm.s32 $0x12C00;
	s18 =	simm.s32 $0x18780;
	s19 =	simm.s32 $0x2  }
0x7: {  	s20 =	simm.s32 $0x1;
	s21 =	simm.s32 $0x1C780;
	s22 =	simm.s32 $0x1D780  }
0x8: {  	s23 =	simm.s32 $0x3;
	s24 =	simm.s32 $0x4;
	s25 =	simm.s32 $0x0  }
0x9: {  	[smem:$0x7FF] =	sst s4;
	s6 =	sand.u32 $0x1, s5;
	s8 =	sshll.u32 s3, $0x1  }
0xa: {  	s5 =	sadd.s32 $0x1600, s0;
	s10 =	sadd.s32 $0x6000, s0;
	s7 =	ssub.s32 $0x2, s6  }
0xb: {  	_ =	strace $0x80000047;
	s8 =	sor.u32 s6, s8;
	s9 =	sshrl.u32 s7, $0x1  }
0xc: {  	s6 =	sadd.s32 $0x3000, s0;
	s11 =	ssub.s32 s7, s9;
	s7 =	smul.u32 $0xD, s8  }
0xd: {  	s8 =	sadd.s32 $0x4000, s0;
	s9 =	sadd.s32 $0x5000, s0;
	s11 =	smax.u32 s11, $0x1  }
.LBB2_1:
0xe: {  	s26 =	simm.s32 $0x0  }
.LBB2_2:
0xf: {  	s30 =	sadd.s32 s7, s26  }
0x10: {  	s28 =	sshrl.u32 s30, $0x3;
	s31 =	sshll.u32 s30, $0x7  }
0x11: {  	s29 =	sand.u32 $0x380, s31;
	s0 =	sshll.u32 s28, $0xA  }
0x12: {  	s0 =	sor.u32 s29, s0  }
0x13: {  	s0 =	sshrl.u32 s0, $0x3  }
0x14: {  	s3 =	smul.u32 $0xC3800, s28;
	s0 =	sadd.s32 s5, s0  }
0x15: {  	[tilespmem:s12], [sflag:$0x1] =	stream.linear.gather [hbm4b:s0+s4], $0x80, $0x38;
	[tilespmem:$0x1E780] =	vst v63  }
0x16: {  	s0 =	sor.u32 s29, s3  }
0x17: {  	s3 =	sshrl.u32 s0, $0x3  }
0x18: {  	s3 =	sadd.s32 s1, s3  }
0x19: {  	[tilespmem:s4], [sflag:$0x1] =	stream.strided.gather [hbm4b:s3+s13], $0x6400, s14, s13, $0x38;
	[tilespmem:$0x1E780] =	vst v63  }
0x1a: {  	s3 =	sadd.s32 $0x32000, s0  }
0x1b: {  	s3 =	sshrl.u32 s3, $0x3  }
0x1c: {  	s3 =	sadd.s32 s1, s3  }
0x1d: {  	[tilespmem:s15], [sflag:$0x1] =	stream.strided.gather [hbm4b:s3+s13], $0x6400, s14, s13, $0x38;
	[tilespmem:$0x1E780] =	vst v63  }
0x1e: {  	s3 =	sadd.s32 $0x64000, s0  }
0x1f: {  	s0 =	sadd.s32 $0x96000, s0;
	s3 =	sshrl.u32 s3, $0x3  }
0x20: {  	s0 =	sshrl.u32 s0, $0x3;
	s3 =	sadd.s32 s1, s3  }
0x21: {  	[tilespmem:s16], [sflag:$0x1] =	stream.strided.gather [hbm4b:s3+s13], $0x6400, s14, s13, $0x38;
	[tilespmem:$0x1E780] =	vst v63  }
0x22: {  	s0 =	sadd.s32 s1, s0  }
0x23: {  	[tilespmem:s17], [sflag:$0x1] =	stream.strided.gather [hbm4b:s0+s13], $0x5A80, s14, s13, $0x38;
	[tilespmem:$0x1E780] =	vst v63  }
0x24: {  	p0 =	seq.s32 s26, $0x0;
	s0 =	sand.u32 $0xF, s30  }
0x25: {  	p1 =	sne.s32 @!p0 s0, $0x0  }
0x26: {  	p1 =	por p0, !p1  }
0x27: {  	s0 =	sand.u32 @p1 $0x70, s30  }
0x28: {  	s3 =	sand.u32 @p1 $0xFFFC000, s31;
	s0 =	sadd.s32 @p1 s2, s0  }
0x29: {  	s0 =	sadd.s32 @p1 s3, s0  }
0x2a: {  	[tilespmem:s18], [sflag:$0x2] =	stream.strided.gather @p1 [hbm4b:s0+s13], $0x4000, s14, s13, $0x38;
	[tilespmem:$0x1E780] =	vst v63  }
0x2b: {  	_ =	swait.ge @p1 [sflag:s19], $0x4000  }
0x2c: {  	[sflag:s19] =	ssyncset.done @p1 $0x0  }
0x2d: {  	[sflag:s19] =	ssyncadd.s32 @p1 $0xFFFFC000  }
0x2e: {  	_ =	swait.ge [sflag:s20], $0x80  }
0x2f: {  	[sflag:s20] =	ssyncset.done $0x0  }
0x30: {  	[sflag:s20] =	ssyncadd.s32 $0xFFFFFF80  }
0x31: {  	_ =	swait.ge [sflag:s20], $0x6400  }
0x32: {  	[sflag:s20] =	ssyncset.done $0x0  }
0x33: {  	[sflag:s20] =	ssyncadd.s32 $0xFFFF9C00  }
0x34: {  	_ =	swait.ge [sflag:s20], $0x6400  }
0x35: {  	[sflag:s20] =	ssyncset.done $0x0  }
0x36: {  	[sflag:s20] =	ssyncadd.s32 $0xFFFF9C00  }
0x37: {  	_ =	swait.ge [sflag:s20], $0x6400  }
0x38: {  	[sflag:s20] =	ssyncset.done $0x0  }
0x39: {  	[sflag:s20] =	ssyncadd.s32 $0xFFFF9C00  }
0x3a: {  	_ =	swait.ge [sflag:s20], $0x5A80  }
0x3b: {  	[sflag:s20] =	ssyncset.done $0x0  }
0x3c: {  	[sflag:s20] =	ssyncadd.s32 $0xFFFFA580  }
0x3d: {  	v0 =	vld [tilespmem:$0x18760]  }
0x3e: {  	v1 =	vld [tilespmem:$0x18770];
	_ =	sdelay $0x3  }
0x3f: {  	[tilespmem:$0x18680] =	vst v0  }
0x40: {  	s0 =	simm.s32 @!p0 $0x3;
	[tilespmem:$0x18690] =	vst v1  }
0x41: {  	_ =	swait.ge @!p0 [sflag:s0], $0x1000  }
0x42: {  	s30 =	simm.s32 $0xFFFFFFF8;
	[sflag:s0] =	ssyncset.done @!p0 $0x0  }
0x43: {  	s31 =	simm.s32 $0x187C0;
	[sflag:s0] =	ssyncadd.s32 @!p0 $0xFFFFF000;
	s0 =	simm.s32 $0x1C7C0  }
.LBB2_3:
0x44: {  	v0 =	vld [tilespmem:s31+$0xFFFFFFC0];
	_ =	sdelay $0x7  }
0x45: {  	v0 =	vld.idx.msk [tilespmem:v0+s4+$0x0], $0xffff;
	_ =	sdelay $0x4  }
0x46: {  	[tilespmem:s0+$0xFFFFFFC0] =	vst v0  }
0x47: {  	v0 =	vld [tilespmem:s31+$0xFFFFFFD0];
	_ =	sdelay $0x7  }
0x48: {  	v0 =	vld.idx.msk [tilespmem:v0+s4+$0x0], $0xffff;
	_ =	sdelay $0x4  }
0x49: {  	[tilespmem:s0+$0xFFFFFFD0] =	vst v0  }
0x4a: {  	v0 =	vld [tilespmem:s31+$0xFFFFFFE0];
	_ =	sdelay $0x7  }
0x4b: {  	v0 =	vld.idx.msk [tilespmem:v0+s4+$0x0], $0xffff;
	_ =	sdelay $0x4  }
0x4c: {  	[tilespmem:s0+$0xFFFFFFE0] =	vst v0  }
0x4d: {  	v0 =	vld [tilespmem:s31+$0xFFFFFFF0];
	_ =	sdelay $0x7  }
0x4e: {  	v0 =	vld.idx.msk [tilespmem:v0+s4+$0x0], $0xffff;
	_ =	sdelay $0x4  }
0x4f: {  	[tilespmem:s0+$0xFFFFFFF0] =	vst v0  }
0x50: {  	v0 =	vld [tilespmem:s31+$0x0];
	_ =	sdelay $0x7  }
0x51: {  	v0 =	vld.idx.msk [tilespmem:v0+s4+$0x0], $0xffff;
	_ =	sdelay $0x4  }
0x52: {  	[tilespmem:s0+$0x0] =	vst v0  }
0x53: {  	v0 =	vld [tilespmem:s31+$0x10];
	_ =	sdelay $0x7  }
0x54: {  	v0 =	vld.idx.msk [tilespmem:v0+s4+$0x0], $0xffff;
	_ =	sdelay $0x4  }
0x55: {  	[tilespmem:s0+$0x10] =	vst v0  }
0x56: {  	v0 =	vld [tilespmem:s31+$0x20];
	_ =	sdelay $0x7  }
0x57: {  	v0 =	vld.idx.msk [tilespmem:v0+s4+$0x0], $0xffff;
	_ =	sdelay $0x4  }
0x58: {  	[tilespmem:s0+$0x20] =	vst v0  }
0x59: {  	v0 =	vld [tilespmem:s31+$0x30];
	_ =	sdelay $0x6  }
0x5a: {  	s30 =	sadd.s32 $0x8, s30  }
0x5b: {  	p1 =	slt.u32 s30, $0xF8;
	v0 =	vld.idx.msk [tilespmem:v0+s4+$0x0], $0xffff  }
.Ltmp0:
0x5c: {  	_ = 	snop;
	(pc) =	sbr.rel @p1 .LBB2_3-.Ltmp0, $2  }
0x5d: {  	_ =	sdelay $0x2  }
0x5e: {  	s31 =	sadd.s32 $0x80, s31;
	[tilespmem:s0+$0x30] =	vst v0;
	s0 =	sadd.s32 $0x80, s0  }
0x5f: {  	s0 =	sshll.u32 s28, $0x11  }
0x60: {  	s0 =	sor.u32 s29, s0  }
0x61: {  	s28 =	sshrl.u32 s0, $0x3  }
0x62: {  	s0 =	sadd.s32 s6, s28  }
0x63: {  	[hbm4b:s0+s13] =	stream.strided.scatter [tilespmem:s21], [sflag:$0x3], $0x1000, s14, s13, $0x38;
	[tilespmem:$0x1E780] =	vst v63  }
0x64: {  	s0 =	simm.s32 @!p0 $0x4  }
0x65: {  	_ =	swait.ge @!p0 [sflag:s0], $0x1000  }
0x66: {  	s30 =	simm.s32 $0x197F0;
	[sflag:s0] =	ssyncset.done @!p0 $0x0  }
0x67: {  	s29 =	simm.s32 $0xFFFFFFF8;
	[sflag:s0] =	ssyncadd.s32 @!p0 $0xFFFFF000;
	s0 =	simm.s32 $0x1D7C0  }
.LBB2_5:
0x68: {  	v0 =	vld [tilespmem:s30+$0xFFFFFF90];
	_ =	sdelay $0x7  }
0x69: {  	v0 =	vld.idx.msk [tilespmem:v0+s4+$0x0], $0xffff;
	_ =	sdelay $0x4  }
0x6a: {  	[tilespmem:s0+$0xFFFFFFC0] =	vst v0  }
0x6b: {  	v0 =	vld [tilespmem:s30+$0xFFFFFFA0];
	_ =	sdelay $0x7  }
0x6c: {  	v0 =	vld.idx.msk [tilespmem:v0+s4+$0x0], $0xffff;
	_ =	sdelay $0x4  }
0x6d: {  	[tilespmem:s0+$0xFFFFFFD0] =	vst v0  }
0x6e: {  	v0 =	vld [tilespmem:s30+$0xFFFFFFB0];
	_ =	sdelay $0x7  }
0x6f: {  	v0 =	vld.idx.msk [tilespmem:v0+s4+$0x0], $0xffff;
	_ =	sdelay $0x4  }
0x70: {  	[tilespmem:s0+$0xFFFFFFE0] =	vst v0  }
0x71: {  	v0 =	vld [tilespmem:s30+$0xFFFFFFC0];
	_ =	sdelay $0x7  }
0x72: {  	v0 =	vld.idx.msk [tilespmem:v0+s4+$0x0], $0xffff;
	_ =	sdelay $0x4  }
0x73: {  	[tilespmem:s0+$0xFFFFFFF0] =	vst v0  }
0x74: {  	v0 =	vld [tilespmem:s30+$0xFFFFFFD0];
	_ =	sdelay $0x7  }
0x75: {  	v0 =	vld.idx.msk [tilespmem:v0+s4+$0x0], $0xffff;
	_ =	sdelay $0x4  }
0x76: {  	[tilespmem:s0+$0x0] =	vst v0  }
0x77: {  	v0 =	vld [tilespmem:s30+$0xFFFFFFE0];
	_ =	sdelay $0x7  }
0x78: {  	v0 =	vld.idx.msk [tilespmem:v0+s4+$0x0], $0xffff;
	_ =	sdelay $0x4  }
0x79: {  	[tilespmem:s0+$0x10] =	vst v0  }
0x7a: {  	v0 =	vld [tilespmem:s30+$0xFFFFFFF0];
	_ =	sdelay $0x7  }
0x7b: {  	v0 =	vld.idx.msk [tilespmem:v0+s4+$0x0], $0xffff;
	_ =	sdelay $0x4  }
0x7c: {  	[tilespmem:s0+$0x20] =	vst v0  }
0x7d: {  	v0 =	vld [tilespmem:s30+$0x0];
	_ =	sdelay $0x6  }
0x7e: {  	s29 =	sadd.s32 $0x8, s29  }
0x7f: {  	p0 =	slt.u32 s29, $0xF8;
	v0 =	vld.idx.msk [tilespmem:v0+s4+$0x0], $0xffff  }
.Ltmp1:
0x80: {  	_ = 	snop;
	(pc) =	sbr.rel @p0 .LBB2_5-.Ltmp1, $2  }
0x81: {  	_ =	sdelay $0x2  }
0x82: {  	s30 =	sadd.s32 $0x80, s30;
	[tilespmem:s0+$0x30] =	vst v0;
	s0 =	sadd.s32 $0x80, s0  }
0x83: {  	s0 =	sadd.s32 s28, s8  }
0x84: {  	[hbm4b:s0+s13] =	stream.strided.scatter [tilespmem:s22], [sflag:$0x4], $0x1000, s14, s13, $0x38;
	[tilespmem:$0x1E780] =	vst v63  }
0x85: {  	_ =	swait.ge [sflag:s23], $0x1000  }
0x86: {  	s29 =	simm.s32 $0xFFFFFFF8;
	[sflag:s23] =	ssyncset.done $0x0  }
0x87: {  	s30 =	simm.s32 $0x1A7F0;
	s0 =	simm.s32 $0x1C7C0;
	[sflag:s23] =	ssyncadd.s32 $0xFFFFF000  }
.LBB2_7:
0x88: {  	v0 =	vld [tilespmem:s30+$0xFFFFFF90];
	_ =	sdelay $0x7  }
0x89: {  	v0 =	vld.idx.msk [tilespmem:v0+s4+$0x0], $0xffff;
	_ =	sdelay $0x4  }
0x8a: {  	[tilespmem:s0+$0xFFFFFFC0] =	vst v0  }
0x8b: {  	v0 =	vld [tilespmem:s30+$0xFFFFFFA0];
	_ =	sdelay $0x7  }
0x8c: {  	v0 =	vld.idx.msk [tilespmem:v0+s4+$0x0], $0xffff;
	_ =	sdelay $0x4  }
0x8d: {  	[tilespmem:s0+$0xFFFFFFD0] =	vst v0  }
0x8e: {  	v0 =	vld [tilespmem:s30+$0xFFFFFFB0];
	_ =	sdelay $0x7  }
0x8f: {  	v0 =	vld.idx.msk [tilespmem:v0+s4+$0x0], $0xffff;
	_ =	sdelay $0x4  }
0x90: {  	[tilespmem:s0+$0xFFFFFFE0] =	vst v0  }
0x91: {  	v0 =	vld [tilespmem:s30+$0xFFFFFFC0];
	_ =	sdelay $0x7  }
0x92: {  	v0 =	vld.idx.msk [tilespmem:v0+s4+$0x0], $0xffff;
	_ =	sdelay $0x4  }
0x93: {  	[tilespmem:s0+$0xFFFFFFF0] =	vst v0  }
0x94: {  	v0 =	vld [tilespmem:s30+$0xFFFFFFD0];
	_ =	sdelay $0x7  }
0x95: {  	v0 =	vld.idx.msk [tilespmem:v0+s4+$0x0], $0xffff;
	_ =	sdelay $0x4  }
0x96: {  	[tilespmem:s0+$0x0] =	vst v0  }
0x97: {  	v0 =	vld [tilespmem:s30+$0xFFFFFFE0];
	_ =	sdelay $0x7  }
0x98: {  	v0 =	vld.idx.msk [tilespmem:v0+s4+$0x0], $0xffff;
	_ =	sdelay $0x4  }
0x99: {  	[tilespmem:s0+$0x10] =	vst v0  }
0x9a: {  	v0 =	vld [tilespmem:s30+$0xFFFFFFF0];
	_ =	sdelay $0x7  }
0x9b: {  	v0 =	vld.idx.msk [tilespmem:v0+s4+$0x0], $0xffff;
	_ =	sdelay $0x4  }
0x9c: {  	[tilespmem:s0+$0x20] =	vst v0  }
0x9d: {  	v0 =	vld [tilespmem:s30+$0x0];
	_ =	sdelay $0x6  }
0x9e: {  	s29 =	sadd.s32 $0x8, s29  }
0x9f: {  	p0 =	slt.u32 s29, $0xF8;
	v0 =	vld.idx.msk [tilespmem:v0+s4+$0x0], $0xffff  }
.Ltmp2:
0xa0: {  	_ = 	snop;
	(pc) =	sbr.rel @p0 .LBB2_7-.Ltmp2, $2  }
0xa1: {  	_ =	sdelay $0x2  }
0xa2: {  	s30 =	sadd.s32 $0x80, s30;
	[tilespmem:s0+$0x30] =	vst v0;
	s0 =	sadd.s32 $0x80, s0  }
0xa3: {  	s0 =	sadd.s32 s28, s9  }
0xa4: {  	[hbm4b:s0+s13] =	stream.strided.scatter [tilespmem:s21], [sflag:$0x3], $0x1000, s14, s13, $0x38;
	[tilespmem:$0x1E780] =	vst v63  }
0xa5: {  	_ =	swait.ge [sflag:s24], $0x1000  }
0xa6: {  	s29 =	simm.s32 $0xFFFFFFF8;
	[sflag:s24] =	ssyncset.done $0x0  }
0xa7: {  	s30 =	simm.s32 $0x1B7F0;
	s0 =	simm.s32 $0x1D7C0;
	[sflag:s24] =	ssyncadd.s32 $0xFFFFF000  }
.LBB2_9:
0xa8: {  	v0 =	vld [tilespmem:s30+$0xFFFFFF90];
	_ =	sdelay $0x7  }
0xa9: {  	v0 =	vld.idx.msk [tilespmem:v0+s4+$0x0], $0xffff;
	_ =	sdelay $0x4  }
0xaa: {  	[tilespmem:s0+$0xFFFFFFC0] =	vst v0  }
0xab: {  	v0 =	vld [tilespmem:s30+$0xFFFFFFA0];
	_ =	sdelay $0x7  }
0xac: {  	v0 =	vld.idx.msk [tilespmem:v0+s4+$0x0], $0xffff;
	_ =	sdelay $0x4  }
0xad: {  	[tilespmem:s0+$0xFFFFFFD0] =	vst v0  }
0xae: {  	v0 =	vld [tilespmem:s30+$0xFFFFFFB0];
	_ =	sdelay $0x7  }
0xaf: {  	v0 =	vld.idx.msk [tilespmem:v0+s4+$0x0], $0xffff;
	_ =	sdelay $0x4  }
0xb0: {  	[tilespmem:s0+$0xFFFFFFE0] =	vst v0  }
0xb1: {  	v0 =	vld [tilespmem:s30+$0xFFFFFFC0];
	_ =	sdelay $0x7  }
0xb2: {  	v0 =	vld.idx.msk [tilespmem:v0+s4+$0x0], $0xffff;
	_ =	sdelay $0x4  }
0xb3: {  	[tilespmem:s0+$0xFFFFFFF0] =	vst v0  }
0xb4: {  	v0 =	vld [tilespmem:s30+$0xFFFFFFD0];
	_ =	sdelay $0x7  }
0xb5: {  	v0 =	vld.idx.msk [tilespmem:v0+s4+$0x0], $0xffff;
	_ =	sdelay $0x4  }
0xb6: {  	[tilespmem:s0+$0x0] =	vst v0  }
0xb7: {  	v0 =	vld [tilespmem:s30+$0xFFFFFFE0];
	_ =	sdelay $0x7  }
0xb8: {  	v0 =	vld.idx.msk [tilespmem:v0+s4+$0x0], $0xffff;
	_ =	sdelay $0x4  }
0xb9: {  	[tilespmem:s0+$0x10] =	vst v0  }
0xba: {  	v0 =	vld [tilespmem:s30+$0xFFFFFFF0];
	_ =	sdelay $0x7  }
0xbb: {  	v0 =	vld.idx.msk [tilespmem:v0+s4+$0x0], $0xffff;
	_ =	sdelay $0x4  }
0xbc: {  	[tilespmem:s0+$0x20] =	vst v0  }
0xbd: {  	v0 =	vld [tilespmem:s30+$0x0];
	_ =	sdelay $0x6  }
0xbe: {  	s29 =	sadd.s32 $0x8, s29  }
0xbf: {  	p0 =	slt.u32 s29, $0xF8;
	v0 =	vld.idx.msk [tilespmem:v0+s4+$0x0], $0xffff  }
.Ltmp3:
0xc0: {  	_ = 	snop;
	(pc) =	sbr.rel @p0 .LBB2_9-.Ltmp3, $2  }
0xc1: {  	_ =	sdelay $0x2  }
0xc2: {  	s30 =	sadd.s32 $0x80, s30;
	[tilespmem:s0+$0x30] =	vst v0;
	s0 =	sadd.s32 $0x80, s0  }
0xc3: {  	s26 =	sadd.s32 $0x1, s26  }
0xc4: {  	p0 =	sne.s32 s26, $0xD  }
.Ltmp4:
0xc5: {  	_ = 	snop;
	(pc) =	sbr.rel @p0 .LBB2_2-.Ltmp4, $3  }
0xc6: {  	_ =	sdelay $0x1  }
0xc7: {  	s0 =	sadd.s32 s28, s10  }
0xc8: {  	[hbm4b:s0+s13] =	stream.strided.scatter [tilespmem:s22], [sflag:$0x4], $0x1000, s14, s13, $0x38;
	[tilespmem:$0x1E780] =	vst v63  }
0xc9: {  	s25 =	sadd.s32 $0x1, s25  }
0xca: {  	_ =	swait.ge [sflag:s23], $0x1000;
	p0 =	sne.s32 s25, s11  }
.Ltmp5:
0xcb: {  	[sflag:s23] =	ssyncset.done $0x0;
	(pc) =	sbr.rel @p0 .LBB2_1-.Ltmp5, $4  }
0xcc: {  	[sflag:s23] =	ssyncadd.s32 $0xFFFFF000  }
0xcd: {  	_ =	swait.ge [sflag:s24], $0x1000  }
0xce: {  	[sflag:s24] =	ssyncset.done $0x0  }
0xcf: {  	[sflag:s24] =	ssyncadd.s32 $0xFFFFF000  }
0xd0: {  	_ =	sfence.sel $0x180000  }
0xd1: {  	[bflag:$0x0] =	sbarrier.arrive $0xFFFF  }
0xd2: {  	_ =	strace $0x90000047  }
0xd3: {  	s0 =	stileid.u32;
	[bflag:$0x2] =	sbarrier.arrive $0xFFFF  }
0xd4: {  	p0 =	sne.s32 s0, $0x0;
	s0 =	rddreg [dreg:$0x3]  }
0xd5: {  	s0 =	sadd.s32 @!p0 $0x100000, s0  }
0xd6: {  	[sflag:s0] =	ssyncadd.tile.s32 @!p0 $0x1;
	_ =	shalt  }
.Lfunc_end2:
_tile_overlayer_lowered:
.L_overlay_start_2:
0xd7: {  	(tag) =	ssettag $0x2  }
0xd8: {  	s0 =	rddreg [dreg:$0x0];
	s2 =	stileid.u32  }
0xd9: {  	s1 =	rddreg [dreg:$0x1];
	p0 =	sne.s32 s2, $0x0  }
0xda: {  	s3 =	rddreg [dreg:$0x2];
	[bflag:$0x3] =	sbarrier.arrive $0xFFFF;
	s2 =	simm.s32 @!p0 $0x1C05  }
0xdb: {  	[timem:s3], [sflag:s2] =	dma.local @!p0 [hbm:s0], s1  }
0xdc: {  	s0 =	simm.s32 @!p0 $0x5  }
0xdd: {  	_ =	swait.ge @!p0 [sflag:s0], s1  }
0xde: {  	s1 =	ssub.s32 @!p0 $0x0, s1;
	[sflag:s0] =	ssyncset.done @!p0 $0x0  }
0xdf: {  	[sflag:s0] =	ssyncadd.s32 @!p0 s1  }
0xe0: {  	[bflag:$0x3] =	sbarrier.arrive $0xFFFF  }
0xe1: {  	_ =	shalt  }

</sc_bundles>
